<compile_context>
chip_gen: v7x
topology: tpu7x:2x2x1
jax: 0.10.2.dev20260603
libtpu: 0.0.44.dev20260713+nightly
codegen_flags: <defaults>
</compile_context>

<pallas_src>
import jax
import jax.numpy as jnp
from jax import lax
from jax.experimental import pallas as pl
from jax.experimental.pallas import tpu as pltpu
from jax.experimental.pallas import tpu_sc as plsc

VOCAB = 1000000
EMB = 64
B = 4096
L = 50

_NC = 2
_NS = 16
_NW = _NC * _NS

_BPW = B // _NW
_LP = 56

_NBUF = 8
_LAG = 2

_PBLK = 128
_PFULL = VOCAB // _PBLK
_PTAIL = VOCAB - _PFULL * _PBLK
_PITER = _PFULL // _NW + 1
_PNBUF = 4
_PLAG = 1


def _pad_kernel(tin_hbm, out_hbm, buf_v, sem_g, sem_s):
    wid = lax.axis_index("s") * _NC + lax.axis_index("c")

    def fire_read(j):
        blk = wid + _NW * j
        pltpu.async_copy(
            tin_hbm.at[pl.ds(blk * _PBLK, _PBLK)],
            buf_v.at[j % _PNBUF, pl.ds(0, _PBLK), pl.ds(0, EMB)],
            sem_g,
        )

    def fire_write(j):
        blk = wid + _NW * j
        pltpu.async_copy(
            buf_v.at[j % _PNBUF], out_hbm.at[pl.ds(blk * _PBLK, _PBLK)], sem_s
        )

    def wait_read():
        pltpu.make_async_copy(
            tin_hbm.at[pl.ds(0, _PBLK)],
            buf_v.at[0, pl.ds(0, _PBLK), pl.ds(0, EMB)],
            sem_g,
        ).wait()

    def wait_write():
        pltpu.make_async_copy(
            buf_v.at[0], out_hbm.at[pl.ds(0, _PBLK)], sem_s
        ).wait()

    def in_range(j):
        return wid + _NW * j < _PFULL

    for j in range(_PNBUF):
        @pl.when(in_range(j))
        def _():
            fire_read(j)

    def step(j, carry):
        @pl.when(in_range(j))
        def _():
            wait_read()
            fire_write(j)

        @pl.when(j >= _PLAG)
        def _():
            @pl.when(in_range(j - _PLAG))
            def _():
                wait_write()

            @pl.when(in_range(j + _PNBUF - _PLAG))
            def _():
                fire_read(j + _PNBUF - _PLAG)

        return carry

    lax.fori_loop(0, _PITER, step, 0)
    @pl.when(in_range(_PITER - _PLAG))
    def _():
        wait_write()
    @pl.when(wid == _NW - 1)
    def _():
        r0 = _PFULL * _PBLK
        pltpu.sync_copy(
            tin_hbm.at[pl.ds(r0, _PTAIL)],
            buf_v.at[0, pl.ds(0, _PTAIL), pl.ds(0, EMB)],
        )
        pltpu.sync_copy(
            buf_v.at[0, pl.ds(0, _PTAIL)], out_hbm.at[pl.ds(r0, _PTAIL)]
        )


def _gather_kernel(table_hbm, x_hbm, out_hbm, idx_v, rows_v, sem_g, sem_s):
    wid = lax.axis_index("s") * _NC + lax.axis_index("c")
    b0 = wid * _BPW
    pltpu.sync_copy(x_hbm.at[pl.ds(b0, _BPW)], idx_v)

    def fire_gather(j):
        pltpu.async_copy(
            table_hbm.at[idx_v.at[j]], rows_v.at[j % _NBUF], sem_g
        )

    def fire_store(j):
        pltpu.async_copy(
            rows_v.at[j % _NBUF],
            out_hbm.at[b0 + j, pl.ds(0, L), pl.ds(0, EMB)],
            sem_s,
        )

    def wait_gather():
        pltpu.make_async_copy(
            table_hbm.at[pl.ds(0, L)], rows_v.at[0], sem_g
        ).wait()

    def wait_store():
        pltpu.make_async_copy(
            rows_v.at[0], out_hbm.at[0, pl.ds(0, L), pl.ds(0, EMB)], sem_s
        ).wait()

    for j in range(_NBUF):
        fire_gather(j)

    def step(j, carry):
        wait_gather()
        fire_store(j)
        @pl.when(j >= _LAG)
        def _():
            wait_store()

            @pl.when(j + _NBUF - _LAG < _BPW)
            def _():
                fire_gather(j + _NBUF - _LAG)

        return carry

    lax.fori_loop(0, _BPW, step, 0)
    for _ in range(_LAG):
        wait_store()


@jax.jit
def kernel(x, table):
    mesh = plsc.VectorSubcoreMesh(core_axis_name="c", subcore_axis_name="s")
    tpad = jnp.pad(table.T, ((0, 128 - EMB), (0, 0))).T
    tview = tpad.reshape(2 * VOCAB, EMB)
    idx2 = x.astype(jnp.int32) * 2
    out = pl.kernel(
        _gather_kernel,
        out_type=jax.ShapeDtypeStruct((B, _LP, 128), jnp.float32),
        mesh=mesh,
        scratch_types=[
            pltpu.VMEM((_BPW, L), jnp.int32),
            pltpu.VMEM((_NBUF, L, EMB), jnp.float32),
            pltpu.SemaphoreType.DMA,
            pltpu.SemaphoreType.DMA,
        ],
        compiler_params=pltpu.CompilerParams(use_tc_tiling_on_sc=False),
    )(tview, idx2)
    return out[:, :L, :EMB]

# --- scband reference (transcript-rebuilt; emitter-appended) ---
"""Pipeline reference for scband-input-embedding-17222818857560 (READ-ONLY COPY).

The authoritative reference and input builder live on the scoring server;
editing this copy changes nothing except your own understanding.
"""

import jax, jax.numpy as jnp
import numpy as np

VOCAB = 1000000
EMB = 64
B = 4096
L = 50

def setup_inputs(seed: int = 0) -> dict:
    key = jax.random.key(seed)
    k_idx, k_tab = jax.random.split(key)
    x = jax.random.randint(k_idx, (B, L), 0, VOCAB, dtype=jnp.int64 if jax.config.jax_enable_x64 else jnp.int32)
    table = jax.random.normal(k_tab, (VOCAB, EMB), dtype=jnp.float32)
    return {"x": x, "table": table}

def reference(x, table):
    # nn.Embedding forward: gather rows of the embedding table
    return jnp.take(table, x, axis=0)

if __name__ == "__main__":
    import jax
    _d = setup_inputs()
    print(jax.jit(kernel)(*tuple(_d.values())))

</pallas_src>

<mosaic_0001>
#map = affine_map<(d0, d1) -> (0, 0)>
#map1 = affine_map<(d0, d1) -> (0, 0, 0)>
module attributes {stable_mosaic.version = 14 : i64} {
  func.func @_gather_kernel(%arg0: i32, %arg1: i32, %arg2: memref<2000000x64xf32, #tpu.memory_space<hbm>>, %arg3: memref<4096x50xi32, #tpu.memory_space<hbm>>, %arg4: memref<4096x56x128xf32, #tpu.memory_space<hbm>>, %arg5: memref<128x50xi32, #tpu.memory_space<vmem>>, %arg6: memref<8x50x64xf32, #tpu.memory_space<vmem>>, %arg7: memref<!tpu.dma_semaphore, #tpu.memory_space<semaphore_mem>>, %arg8: memref<!tpu.dma_semaphore, #tpu.memory_space<semaphore_mem>>) attributes {dimension_semantics = [#tpu.dimension_semantics<core_parallel>, #tpu.dimension_semantics<subcore_parallel>], iteration_bounds = array<i64: 2, 16>, scalar_prefetch = 0 : i64, scratch_operands = 4 : i64, tpu.core_type = #tpu.core_type<sc_vector_subcore>, window_params = [{transform_indices = #map}, {transform_indices = #map}, {transform_indices = #map1}]} {
    %mul3A = arith.constant 2 : i32
    %mul3A_0 = arith.muli %arg1, %mul3A : i32
    %add3A = arith.addi %mul3A_0, %arg0 : i32
    %mul3A_1 = arith.constant 128 : i32
    %mul3A_2 = arith.muli %add3A, %mul3A_1 : i32
    "tpu.region"() ({
      %run_scoped3A = tpu.sem_alloc : memref<!tpu.dma_semaphore, #tpu.memory_space<semaphore_mem>>
      %dma_start3A_138 = arith.constant 0 : i32
      %dma_start3A_139 = tpu.memref_slice %arg3[%mul3A_2, %dma_start3A_138] : memref<4096x50xi32, #tpu.memory_space<hbm>> -> memref<128x50xi32, #tpu.memory_space<hbm>>
      %dma_start3A_140 = arith.constant 0 : i32
      %dma_start3A_141 = tpu.memref_slice %arg3[%mul3A_2, %dma_start3A_140] : memref<4096x50xi32, #tpu.memory_space<hbm>> -> memref<128x50xi32, #tpu.memory_space<hbm>>
      tpu.enqueue_dma source(%dma_start3A_141 : memref<128x50xi32, #tpu.memory_space<hbm>>) target(%arg5 : memref<128x50xi32, #tpu.memory_space<vmem>>) target_semaphore(%run_scoped3A : memref<!tpu.dma_semaphore, #tpu.memory_space<semaphore_mem>>)
      %dma_wait3A_142 = arith.constant 0 : i32
      %dma_wait3A_143 = tpu.memref_slice %arg3[%mul3A_2, %dma_wait3A_142] : memref<4096x50xi32, #tpu.memory_space<hbm>> -> memref<128x50xi32, #tpu.memory_space<hbm>>
      %dma_wait3A_144 = arith.constant 0 : i32
      %dma_wait3A_145 = tpu.memref_slice %arg3[%mul3A_2, %dma_wait3A_144] : memref<4096x50xi32, #tpu.memory_space<hbm>> -> memref<128x50xi32, #tpu.memory_space<hbm>>
      tpu.wait_dma2 semaphore(%run_scoped3A : memref<!tpu.dma_semaphore, #tpu.memory_space<semaphore_mem>>) src(%dma_wait3A_145 : memref<128x50xi32, #tpu.memory_space<hbm>>) dst(%arg5 : memref<128x50xi32, #tpu.memory_space<vmem>>)
      tpu.yield
    }) : () -> ()
    %dma_start3A = arith.constant 0 : i32
    %dma_start3A_3 = arith.constant 0 : i32
    %dma_start3A_4 = arith.constant 0 : i32
    %dma_start3A_5 = arith.constant 0 : i32
    %dma_start3A_6 = tpu.memref_slice %arg6[%dma_start3A_3, %dma_start3A_4, %dma_start3A_5] : memref<8x50x64xf32, #tpu.memory_space<vmem>> -> memref<1x50x64xf32, #tpu.memory_space<vmem>>
    %dma_start3A_7 = tpu.memref_squeeze %dma_start3A_6 : memref<1x50x64xf32, #tpu.memory_space<vmem>> -> memref<50x64xf32, #tpu.memory_space<vmem>>
    %dma_start3A_8 = arith.constant 0 : i32
    %dma_start3A_9 = tpu.memref_slice %arg5[%dma_start3A, %dma_start3A_8] : memref<128x50xi32, #tpu.memory_space<vmem>> -> memref<1x50xi32, #tpu.memory_space<vmem>>
    %dma_start3A_10 = tpu.memref_squeeze %dma_start3A_9 : memref<1x50xi32, #tpu.memory_space<vmem>> -> memref<50xi32, #tpu.memory_space<vmem>>
    %dma_start3A_11 = arith.constant 0 : i32
    %dma_start3A_12 = arith.constant 0 : i32
    %dma_start3A_13 = tpu.memref_slice %arg2[%dma_start3A_11, %dma_start3A_12] : memref<2000000x64xf32, #tpu.memory_space<hbm>> -> memref<2000000x64xf32, #tpu.memory_space<hbm>>
    tpu.enqueue_indirect_dma source(%dma_start3A_13 : memref<2000000x64xf32, #tpu.memory_space<hbm>>) target(%dma_start3A_7 : memref<50x64xf32, #tpu.memory_space<vmem>>) offsets(%dma_start3A_10 : memref<50xi32, #tpu.memory_space<vmem>>) semaphore(%arg7 : memref<!tpu.dma_semaphore, #tpu.memory_space<semaphore_mem>>)
    %dma_start3A_14 = arith.constant 1 : i32
    %dma_start3A_15 = arith.constant 1 : i32
    %dma_start3A_16 = arith.constant 0 : i32
    %dma_start3A_17 = arith.constant 0 : i32
    %dma_start3A_18 = tpu.memref_slice %arg6[%dma_start3A_15, %dma_start3A_16, %dma_start3A_17] : memref<8x50x64xf32, #tpu.memory_space<vmem>> -> memref<1x50x64xf32, #tpu.memory_space<vmem>>
    %dma_start3A_19 = tpu.memref_squeeze %dma_start3A_18 : memref<1x50x64xf32, #tpu.memory_space<vmem>> -> memref<50x64xf32, #tpu.memory_space<vmem>>
    %dma_start3A_20 = arith.constant 0 : i32
    %dma_start3A_21 = tpu.memref_slice %arg5[%dma_start3A_14, %dma_start3A_20] : memref<128x50xi32, #tpu.memory_space<vmem>> -> memref<1x50xi32, #tpu.memory_space<vmem>>
    %dma_start3A_22 = tpu.memref_squeeze %dma_start3A_21 : memref<1x50xi32, #tpu.memory_space<vmem>> -> memref<50xi32, #tpu.memory_space<vmem>>
    %dma_start3A_23 = arith.constant 0 : i32
    %dma_start3A_24 = arith.constant 0 : i32
    %dma_start3A_25 = tpu.memref_slice %arg2[%dma_start3A_23, %dma_start3A_24] : memref<2000000x64xf32, #tpu.memory_space<hbm>> -> memref<2000000x64xf32, #tpu.memory_space<hbm>>
    tpu.enqueue_indirect_dma source(%dma_start3A_25 : memref<2000000x64xf32, #tpu.memory_space<hbm>>) target(%dma_start3A_19 : memref<50x64xf32, #tpu.memory_space<vmem>>) offsets(%dma_start3A_22 : memref<50xi32, #tpu.memory_space<vmem>>) semaphore(%arg7 : memref<!tpu.dma_semaphore, #tpu.memory_space<semaphore_mem>>)
    %dma_start3A_26 = arith.constant 2 : i32
    %dma_start3A_27 = arith.constant 2 : i32
    %dma_start3A_28 = arith.constant 0 : i32
    %dma_start3A_29 = arith.constant 0 : i32
    %dma_start3A_30 = tpu.memref_slice %arg6[%dma_start3A_27, %dma_start3A_28, %dma_start3A_29] : memref<8x50x64xf32, #tpu.memory_space<vmem>> -> memref<1x50x64xf32, #tpu.memory_space<vmem>>
    %dma_start3A_31 = tpu.memref_squeeze %dma_start3A_30 : memref<1x50x64xf32, #tpu.memory_space<vmem>> -> memref<50x64xf32, #tpu.memory_space<vmem>>
    %dma_start3A_32 = arith.constant 0 : i32
    %dma_start3A_33 = tpu.memref_slice %arg5[%dma_start3A_26, %dma_start3A_32] : memref<128x50xi32, #tpu.memory_space<vmem>> -> memref<1x50xi32, #tpu.memory_space<vmem>>
    %dma_start3A_34 = tpu.memref_squeeze %dma_start3A_33 : memref<1x50xi32, #tpu.memory_space<vmem>> -> memref<50xi32, #tpu.memory_space<vmem>>
    %dma_start3A_35 = arith.constant 0 : i32
    %dma_start3A_36 = arith.constant 0 : i32
    %dma_start3A_37 = tpu.memref_slice %arg2[%dma_start3A_35, %dma_start3A_36] : memref<2000000x64xf32, #tpu.memory_space<hbm>> -> memref<2000000x64xf32, #tpu.memory_space<hbm>>
    tpu.enqueue_indirect_dma source(%dma_start3A_37 : memref<2000000x64xf32, #tpu.memory_space<hbm>>) target(%dma_start3A_31 : memref<50x64xf32, #tpu.memory_space<vmem>>) offsets(%dma_start3A_34 : memref<50xi32, #tpu.memory_space<vmem>>) semaphore(%arg7 : memref<!tpu.dma_semaphore, #tpu.memory_space<semaphore_mem>>)
    %dma_start3A_38 = arith.constant 3 : i32
    %dma_start3A_39 = arith.constant 3 : i32
    %dma_start3A_40 = arith.constant 0 : i32
    %dma_start3A_41 = arith.constant 0 : i32
    %dma_start3A_42 = tpu.memref_slice %arg6[%dma_start3A_39, %dma_start3A_40, %dma_start3A_41] : memref<8x50x64xf32, #tpu.memory_space<vmem>> -> memref<1x50x64xf32, #tpu.memory_space<vmem>>
    %dma_start3A_43 = tpu.memref_squeeze %dma_start3A_42 : memref<1x50x64xf32, #tpu.memory_space<vmem>> -> memref<50x64xf32, #tpu.memory_space<vmem>>
    %dma_start3A_44 = arith.constant 0 : i32
    %dma_start3A_45 = tpu.memref_slice %arg5[%dma_start3A_38, %dma_start3A_44] : memref<128x50xi32, #tpu.memory_space<vmem>> -> memref<1x50xi32, #tpu.memory_space<vmem>>
    %dma_start3A_46 = tpu.memref_squeeze %dma_start3A_45 : memref<1x50xi32, #tpu.memory_space<vmem>> -> memref<50xi32, #tpu.memory_space<vmem>>
    %dma_start3A_47 = arith.constant 0 : i32
    %dma_start3A_48 = arith.constant 0 : i32
    %dma_start3A_49 = tpu.memref_slice %arg2[%dma_start3A_47, %dma_start3A_48] : memref<2000000x64xf32, #tpu.memory_space<hbm>> -> memref<2000000x64xf32, #tpu.memory_space<hbm>>
    tpu.enqueue_indirect_dma source(%dma_start3A_49 : memref<2000000x64xf32, #tpu.memory_space<hbm>>) target(%dma_start3A_43 : memref<50x64xf32, #tpu.memory_space<vmem>>) offsets(%dma_start3A_46 : memref<50xi32, #tpu.memory_space<vmem>>) semaphore(%arg7 : memref<!tpu.dma_semaphore, #tpu.memory_space<semaphore_mem>>)
    %dma_start3A_50 = arith.constant 4 : i32
    %dma_start3A_51 = arith.constant 4 : i32
    %dma_start3A_52 = arith.constant 0 : i32
    %dma_start3A_53 = arith.constant 0 : i32
    %dma_start3A_54 = tpu.memref_slice %arg6[%dma_start3A_51, %dma_start3A_52, %dma_start3A_53] : memref<8x50x64xf32, #tpu.memory_space<vmem>> -> memref<1x50x64xf32, #tpu.memory_space<vmem>>
    %dma_start3A_55 = tpu.memref_squeeze %dma_start3A_54 : memref<1x50x64xf32, #tpu.memory_space<vmem>> -> memref<50x64xf32, #tpu.memory_space<vmem>>
    %dma_start3A_56 = arith.constant 0 : i32
    %dma_start3A_57 = tpu.memref_slice %arg5[%dma_start3A_50, %dma_start3A_56] : memref<128x50xi32, #tpu.memory_space<vmem>> -> memref<1x50xi32, #tpu.memory_space<vmem>>
    %dma_start3A_58 = tpu.memref_squeeze %dma_start3A_57 : memref<1x50xi32, #tpu.memory_space<vmem>> -> memref<50xi32, #tpu.memory_space<vmem>>
    %dma_start3A_59 = arith.constant 0 : i32
    %dma_start3A_60 = arith.constant 0 : i32
    %dma_start3A_61 = tpu.memref_slice %arg2[%dma_start3A_59, %dma_start3A_60] : memref<2000000x64xf32, #tpu.memory_space<hbm>> -> memref<2000000x64xf32, #tpu.memory_space<hbm>>
    tpu.enqueue_indirect_dma source(%dma_start3A_61 : memref<2000000x64xf32, #tpu.memory_space<hbm>>) target(%dma_start3A_55 : memref<50x64xf32, #tpu.memory_space<vmem>>) offsets(%dma_start3A_58 : memref<50xi32, #tpu.memory_space<vmem>>) semaphore(%arg7 : memref<!tpu.dma_semaphore, #tpu.memory_space<semaphore_mem>>)
    %dma_start3A_62 = arith.constant 5 : i32
    %dma_start3A_63 = arith.constant 5 : i32
    %dma_start3A_64 = arith.constant 0 : i32
    %dma_start3A_65 = arith.constant 0 : i32
    %dma_start3A_66 = tpu.memref_slice %arg6[%dma_start3A_63, %dma_start3A_64, %dma_start3A_65] : memref<8x50x64xf32, #tpu.memory_space<vmem>> -> memref<1x50x64xf32, #tpu.memory_space<vmem>>
    %dma_start3A_67 = tpu.memref_squeeze %dma_start3A_66 : memref<1x50x64xf32, #tpu.memory_space<vmem>> -> memref<50x64xf32, #tpu.memory_space<vmem>>
    %dma_start3A_68 = arith.constant 0 : i32
    %dma_start3A_69 = tpu.memref_slice %arg5[%dma_start3A_62, %dma_start3A_68] : memref<128x50xi32, #tpu.memory_space<vmem>> -> memref<1x50xi32, #tpu.memory_space<vmem>>
    %dma_start3A_70 = tpu.memref_squeeze %dma_start3A_69 : memref<1x50xi32, #tpu.memory_space<vmem>> -> memref<50xi32, #tpu.memory_space<vmem>>
    %dma_start3A_71 = arith.constant 0 : i32
    %dma_start3A_72 = arith.constant 0 : i32
    %dma_start3A_73 = tpu.memref_slice %arg2[%dma_start3A_71, %dma_start3A_72] : memref<2000000x64xf32, #tpu.memory_space<hbm>> -> memref<2000000x64xf32, #tpu.memory_space<hbm>>
    tpu.enqueue_indirect_dma source(%dma_start3A_73 : memref<2000000x64xf32, #tpu.memory_space<hbm>>) target(%dma_start3A_67 : memref<50x64xf32, #tpu.memory_space<vmem>>) offsets(%dma_start3A_70 : memref<50xi32, #tpu.memory_space<vmem>>) semaphore(%arg7 : memref<!tpu.dma_semaphore, #tpu.memory_space<semaphore_mem>>)
    %dma_start3A_74 = arith.constant 6 : i32
    %dma_start3A_75 = arith.constant 6 : i32
    %dma_start3A_76 = arith.constant 0 : i32
    %dma_start3A_77 = arith.constant 0 : i32
    %dma_start3A_78 = tpu.memref_slice %arg6[%dma_start3A_75, %dma_start3A_76, %dma_start3A_77] : memref<8x50x64xf32, #tpu.memory_space<vmem>> -> memref<1x50x64xf32, #tpu.memory_space<vmem>>
    %dma_start3A_79 = tpu.memref_squeeze %dma_start3A_78 : memref<1x50x64xf32, #tpu.memory_space<vmem>> -> memref<50x64xf32, #tpu.memory_space<vmem>>
    %dma_start3A_80 = arith.constant 0 : i32
    %dma_start3A_81 = tpu.memref_slice %arg5[%dma_start3A_74, %dma_start3A_80] : memref<128x50xi32, #tpu.memory_space<vmem>> -> memref<1x50xi32, #tpu.memory_space<vmem>>
    %dma_start3A_82 = tpu.memref_squeeze %dma_start3A_81 : memref<1x50xi32, #tpu.memory_space<vmem>> -> memref<50xi32, #tpu.memory_space<vmem>>
    %dma_start3A_83 = arith.constant 0 : i32
    %dma_start3A_84 = arith.constant 0 : i32
    %dma_start3A_85 = tpu.memref_slice %arg2[%dma_start3A_83, %dma_start3A_84] : memref<2000000x64xf32, #tpu.memory_space<hbm>> -> memref<2000000x64xf32, #tpu.memory_space<hbm>>
    tpu.enqueue_indirect_dma source(%dma_start3A_85 : memref<2000000x64xf32, #tpu.memory_space<hbm>>) target(%dma_start3A_79 : memref<50x64xf32, #tpu.memory_space<vmem>>) offsets(%dma_start3A_82 : memref<50xi32, #tpu.memory_space<vmem>>) semaphore(%arg7 : memref<!tpu.dma_semaphore, #tpu.memory_space<semaphore_mem>>)
    %dma_start3A_86 = arith.constant 7 : i32
    %dma_start3A_87 = arith.constant 7 : i32
    %dma_start3A_88 = arith.constant 0 : i32
    %dma_start3A_89 = arith.constant 0 : i32
    %dma_start3A_90 = tpu.memref_slice %arg6[%dma_start3A_87, %dma_start3A_88, %dma_start3A_89] : memref<8x50x64xf32, #tpu.memory_space<vmem>> -> memref<1x50x64xf32, #tpu.memory_space<vmem>>
    %dma_start3A_91 = tpu.memref_squeeze %dma_start3A_90 : memref<1x50x64xf32, #tpu.memory_space<vmem>> -> memref<50x64xf32, #tpu.memory_space<vmem>>
    %dma_start3A_92 = arith.constant 0 : i32
    %dma_start3A_93 = tpu.memref_slice %arg5[%dma_start3A_86, %dma_start3A_92] : memref<128x50xi32, #tpu.memory_space<vmem>> -> memref<1x50xi32, #tpu.memory_space<vmem>>
    %dma_start3A_94 = tpu.memref_squeeze %dma_start3A_93 : memref<1x50xi32, #tpu.memory_space<vmem>> -> memref<50xi32, #tpu.memory_space<vmem>>
    %dma_start3A_95 = arith.constant 0 : i32
    %dma_start3A_96 = arith.constant 0 : i32
    %dma_start3A_97 = tpu.memref_slice %arg2[%dma_start3A_95, %dma_start3A_96] : memref<2000000x64xf32, #tpu.memory_space<hbm>> -> memref<2000000x64xf32, #tpu.memory_space<hbm>>
    tpu.enqueue_indirect_dma source(%dma_start3A_97 : memref<2000000x64xf32, #tpu.memory_space<hbm>>) target(%dma_start3A_91 : memref<50x64xf32, #tpu.memory_space<vmem>>) offsets(%dma_start3A_94 : memref<50xi32, #tpu.memory_space<vmem>>) semaphore(%arg7 : memref<!tpu.dma_semaphore, #tpu.memory_space<semaphore_mem>>)
    %scan3A = arith.constant 0 : i32
    %scan3A_98 = arith.constant 0 : i32
    %scan3A_99 = arith.constant 128 : i32
    %scan3A_100 = arith.addi %scan3A_98, %scan3A_99 : i32
    %scan3A_101 = arith.constant 1 : i32
    scf.for %scan3A_138 = %scan3A_98 to %scan3A_100 step %scan3A_101  : i32 {
      %dma_wait3A_139 = arith.constant 0 : i32
      %dma_wait3A_140 = arith.constant 0 : i32
      %dma_wait3A_141 = arith.constant 0 : i32
      %dma_wait3A_142 = tpu.memref_slice %arg6[%dma_wait3A_139, %dma_wait3A_140, %dma_wait3A_141] : memref<8x50x64xf32, #tpu.memory_space<vmem>> -> memref<1x50x64xf32, #tpu.memory_space<vmem>>
      %dma_wait3A_143 = tpu.memref_squeeze %dma_wait3A_142 : memref<1x50x64xf32, #tpu.memory_space<vmem>> -> memref<50x64xf32, #tpu.memory_space<vmem>>
      %dma_wait3A_144 = arith.constant 0 : i32
      %dma_wait3A_145 = arith.constant 0 : i32
      %dma_wait3A_146 = tpu.memref_slice %arg2[%dma_wait3A_144, %dma_wait3A_145] : memref<2000000x64xf32, #tpu.memory_space<hbm>> -> memref<50x64xf32, #tpu.memory_space<hbm>>
      %dma_wait3A_147 = arith.constant 0 : i32
      %dma_wait3A_148 = arith.constant 0 : i32
      %dma_wait3A_149 = tpu.memref_slice %arg6[%dma_wait3A_139, %dma_wait3A_147, %dma_wait3A_148] : memref<8x50x64xf32, #tpu.memory_space<vmem>> -> memref<1x50x64xf32, #tpu.memory_space<vmem>>
      %dma_wait3A_150 = tpu.memref_squeeze %dma_wait3A_149 : memref<1x50x64xf32, #tpu.memory_space<vmem>> -> memref<50x64xf32, #tpu.memory_space<vmem>>
      %dma_wait3A_151 = arith.constant 0 : i32
      %dma_wait3A_152 = arith.constant 0 : i32
      %dma_wait3A_153 = tpu.memref_slice %arg2[%dma_wait3A_151, %dma_wait3A_152] : memref<2000000x64xf32, #tpu.memory_space<hbm>> -> memref<50x64xf32, #tpu.memory_space<hbm>>
      tpu.wait_dma2 semaphore(%arg7 : memref<!tpu.dma_semaphore, #tpu.memory_space<semaphore_mem>>) src(%dma_wait3A_153 : memref<50x64xf32, #tpu.memory_space<hbm>>) dst(%dma_wait3A_150 : memref<50x64xf32, #tpu.memory_space<vmem>>)
      %jit3A = arith.constant 8 : i32
      %eq3A = arith.constant 0 : i32
      %eq3A_154 = arith.cmpi eq, %jit3A, %eq3A : i32
      %jit3A_155 = arith.constant 1 : i32
      %select_n3A = arith.select %eq3A_154, %jit3A_155, %jit3A : i32
      %rem3A = arith.remsi %scan3A_138, %select_n3A : i32
      %ne3A = arith.constant 0 : i32
      %ne3A_156 = arith.cmpi ne, %rem3A, %ne3A : i32
      %lt3A = arith.constant 0 : i32
      %lt3A_157 = arith.cmpi slt, %rem3A, %lt3A : i32
      %lt3A_158 = arith.constant 0 : i32
      %lt3A_159 = arith.cmpi slt, %select_n3A, %lt3A_158 : i32
      %ne3A_160 = arith.xori %lt3A_157, %lt3A_159 : i1
      %and3A = arith.andi %ne3A_160, %ne3A_156 : i1
      %add3A_161 = arith.addi %rem3A, %select_n3A : i32
      %select_n3A_162 = arith.select %and3A, %add3A_161, %rem3A : i32
      %add3A_163 = arith.addi %mul3A_2, %scan3A_138 : i32
      %dma_start3A_164 = arith.constant 0 : i32
      %dma_start3A_165 = arith.constant 0 : i32
      %dma_start3A_166 = tpu.memref_slice %arg6[%select_n3A_162, %dma_start3A_164, %dma_start3A_165] : memref<8x50x64xf32, #tpu.memory_space<vmem>> -> memref<1x50x64xf32, #tpu.memory_space<vmem>>
      %dma_start3A_167 = tpu.memref_squeeze %dma_start3A_166 : memref<1x50x64xf32, #tpu.memory_space<vmem>> -> memref<50x64xf32, #tpu.memory_space<vmem>>
      %dma_start3A_168 = arith.constant 0 : i32
      %dma_start3A_169 = arith.constant 0 : i32
      %dma_start3A_170 = tpu.memref_slice %arg4[%add3A_163, %dma_start3A_168, %dma_start3A_169] : memref<4096x56x128xf32, #tpu.memory_space<hbm>> -> memref<1x50x64xf32, #tpu.memory_space<hbm>>
      %dma_start3A_171 = tpu.memref_squeeze %dma_start3A_170 : memref<1x50x64xf32, #tpu.memory_space<hbm>> -> memref<50x64xf32, #tpu.memory_space<hbm>>
      %dma_start3A_172 = arith.constant 0 : i32
      %dma_start3A_173 = arith.constant 0 : i32
      %dma_start3A_174 = tpu.memref_slice %arg4[%add3A_163, %dma_start3A_172, %dma_start3A_173] : memref<4096x56x128xf32, #tpu.memory_space<hbm>> -> memref<1x50x64xf32, #tpu.memory_space<hbm>>
      %dma_start3A_175 = tpu.memref_squeeze %dma_start3A_174 : memref<1x50x64xf32, #tpu.memory_space<hbm>> -> memref<50x64xf32, #tpu.memory_space<hbm>>
      %dma_start3A_176 = arith.constant 0 : i32
      %dma_start3A_177 = arith.constant 0 : i32
      %dma_start3A_178 = tpu.memref_slice %arg6[%select_n3A_162, %dma_start3A_176, %dma_start3A_177] : memref<8x50x64xf32, #tpu.memory_space<vmem>> -> memref<1x50x64xf32, #tpu.memory_space<vmem>>
      %dma_start3A_179 = tpu.memref_squeeze %dma_start3A_178 : memref<1x50x64xf32, #tpu.memory_space<vmem>> -> memref<50x64xf32, #tpu.memory_space<vmem>>
      tpu.enqueue_dma source(%dma_start3A_179 : memref<50x64xf32, #tpu.memory_space<vmem>>) target(%dma_start3A_175 : memref<50x64xf32, #tpu.memory_space<hbm>>) target_semaphore(%arg8 : memref<!tpu.dma_semaphore, #tpu.memory_space<semaphore_mem>>)
      %ge3A = arith.constant 2 : i32
      %ge3A_180 = arith.cmpi sge, %scan3A_138, %ge3A : i32
      %convert_element_type3A = arith.extui %ge3A_180 : i1 to i32
      %cond3A = arith.constant 0 : i32
      %cond3A_181 = arith.cmpi ne, %convert_element_type3A, %cond3A : i32
      scf.if %cond3A_181 {
        %dma_wait3A_182 = arith.constant 0 : i32
        %dma_wait3A_183 = arith.constant 0 : i32
        %dma_wait3A_184 = arith.constant 0 : i32
        %dma_wait3A_185 = arith.constant 0 : i32
        %dma_wait3A_186 = tpu.memref_slice %arg6[%dma_wait3A_182, %dma_wait3A_184, %dma_wait3A_185] : memref<8x50x64xf32, #tpu.memory_space<vmem>> -> memref<1x50x64xf32, #tpu.memory_space<vmem>>
        %dma_wait3A_187 = tpu.memref_squeeze %dma_wait3A_186 : memref<1x50x64xf32, #tpu.memory_space<vmem>> -> memref<50x64xf32, #tpu.memory_space<vmem>>
        %dma_wait3A_188 = arith.constant 0 : i32
        %dma_wait3A_189 = arith.constant 0 : i32
        %dma_wait3A_190 = tpu.memref_slice %arg4[%dma_wait3A_183, %dma_wait3A_188, %dma_wait3A_189] : memref<4096x56x128xf32, #tpu.memory_space<hbm>> -> memref<1x50x64xf32, #tpu.memory_space<hbm>>
        %dma_wait3A_191 = tpu.memref_squeeze %dma_wait3A_190 : memref<1x50x64xf32, #tpu.memory_space<hbm>> -> memref<50x64xf32, #tpu.memory_space<hbm>>
        %dma_wait3A_192 = arith.constant 0 : i32
        %dma_wait3A_193 = arith.constant 0 : i32
        %dma_wait3A_194 = tpu.memref_slice %arg4[%dma_wait3A_183, %dma_wait3A_192, %dma_wait3A_193] : memref<4096x56x128xf32, #tpu.memory_space<hbm>> -> memref<1x50x64xf32, #tpu.memory_space<hbm>>
        %dma_wait3A_195 = tpu.memref_squeeze %dma_wait3A_194 : memref<1x50x64xf32, #tpu.memory_space<hbm>> -> memref<50x64xf32, #tpu.memory_space<hbm>>
        %dma_wait3A_196 = arith.constant 0 : i32
        %dma_wait3A_197 = arith.constant 0 : i32
        %dma_wait3A_198 = tpu.memref_slice %arg6[%dma_wait3A_182, %dma_wait3A_196, %dma_wait3A_197] : memref<8x50x64xf32, #tpu.memory_space<vmem>> -> memref<1x50x64xf32, #tpu.memory_space<vmem>>
        %dma_wait3A_199 = tpu.memref_squeeze %dma_wait3A_198 : memref<1x50x64xf32, #tpu.memory_space<vmem>> -> memref<50x64xf32, #tpu.memory_space<vmem>>
        tpu.wait_dma2 semaphore(%arg8 : memref<!tpu.dma_semaphore, #tpu.memory_space<semaphore_mem>>) src(%dma_wait3A_199 : memref<50x64xf32, #tpu.memory_space<vmem>>) dst(%dma_wait3A_195 : memref<50x64xf32, #tpu.memory_space<hbm>>)
        %add3A_200 = arith.constant 8 : i32
        %add3A_201 = arith.addi %scan3A_138, %add3A_200 : i32
        %sub3A = arith.constant 2 : i32
        %sub3A_202 = arith.subi %add3A_201, %sub3A : i32
        %lt3A_203 = arith.constant 128 : i32
        %lt3A_204 = arith.cmpi slt, %sub3A_202, %lt3A_203 : i32
        %convert_element_type3A_205 = arith.extui %lt3A_204 : i1 to i32
        %cond3A_206 = arith.constant 0 : i32
        %cond3A_207 = arith.cmpi ne, %convert_element_type3A_205, %cond3A_206 : i32
        scf.if %cond3A_207 {
          %add3A_208 = arith.constant 8 : i32
          %add3A_209 = arith.addi %scan3A_138, %add3A_208 : i32
          %sub3A_210 = arith.constant 2 : i32
          %sub3A_211 = arith.subi %add3A_209, %sub3A_210 : i32
          %jit3A_212 = arith.constant 8 : i32
          %eq3A_213 = arith.constant 0 : i32
          %eq3A_214 = arith.cmpi eq, %jit3A_212, %eq3A_213 : i32
          %jit3A_215 = arith.constant 1 : i32
          %select_n3A_216 = arith.select %eq3A_214, %jit3A_215, %jit3A_212 : i32
          %rem3A_217 = arith.remsi %sub3A_211, %select_n3A_216 : i32
          %ne3A_218 = arith.constant 0 : i32
          %ne3A_219 = arith.cmpi ne, %rem3A_217, %ne3A_218 : i32
          %lt3A_220 = arith.constant 0 : i32
          %lt3A_221 = arith.cmpi slt, %rem3A_217, %lt3A_220 : i32
          %lt3A_222 = arith.constant 0 : i32
          %lt3A_223 = arith.cmpi slt, %select_n3A_216, %lt3A_222 : i32
          %ne3A_224 = arith.xori %lt3A_221, %lt3A_223 : i1
          %and3A_225 = arith.andi %ne3A_224, %ne3A_219 : i1
          %add3A_226 = arith.addi %rem3A_217, %select_n3A_216 : i32
          %select_n3A_227 = arith.select %and3A_225, %add3A_226, %rem3A_217 : i32
          %dma_start3A_228 = arith.constant 0 : i32
          %dma_start3A_229 = arith.constant 0 : i32
          %dma_start3A_230 = tpu.memref_slice %arg6[%select_n3A_227, %dma_start3A_228, %dma_start3A_229] : memref<8x50x64xf32, #tpu.memory_space<vmem>> -> memref<1x50x64xf32, #tpu.memory_space<vmem>>
          %dma_start3A_231 = tpu.memref_squeeze %dma_start3A_230 : memref<1x50x64xf32, #tpu.memory_space<vmem>> -> memref<50x64xf32, #tpu.memory_space<vmem>>
          %dma_start3A_232 = arith.constant 0 : i32
          %dma_start3A_233 = tpu.memref_slice %arg5[%sub3A_211, %dma_start3A_232] : memref<128x50xi32, #tpu.memory_space<vmem>> -> memref<1x50xi32, #tpu.memory_space<vmem>>
          %dma_start3A_234 = tpu.memref_squeeze %dma_start3A_233 : memref<1x50xi32, #tpu.memory_space<vmem>> -> memref<50xi32, #tpu.memory_space<vmem>>
          %dma_start3A_235 = arith.constant 0 : i32
          %dma_start3A_236 = arith.constant 0 : i32
          %dma_start3A_237 = tpu.memref_slice %arg2[%dma_start3A_235, %dma_start3A_236] : memref<2000000x64xf32, #tpu.memory_space<hbm>> -> memref<2000000x64xf32, #tpu.memory_space<hbm>>
          tpu.enqueue_indirect_dma source(%dma_start3A_237 : memref<2000000x64xf32, #tpu.memory_space<hbm>>) target(%dma_start3A_231 : memref<50x64xf32, #tpu.memory_space<vmem>>) offsets(%dma_start3A_234 : memref<50xi32, #tpu.memory_space<vmem>>) semaphore(%arg7 : memref<!tpu.dma_semaphore, #tpu.memory_space<semaphore_mem>>)
        } else {
        }
      } else {
      }
    }
    %scan3A_102 = arith.constant 128 : i32
    %dma_wait3A = arith.constant 0 : i32
    %dma_wait3A_103 = arith.constant 0 : i32
    %dma_wait3A_104 = arith.constant 0 : i32
    %dma_wait3A_105 = arith.constant 0 : i32
    %dma_wait3A_106 = tpu.memref_slice %arg6[%dma_wait3A, %dma_wait3A_104, %dma_wait3A_105] : memref<8x50x64xf32, #tpu.memory_space<vmem>> -> memref<1x50x64xf32, #tpu.memory_space<vmem>>
    %dma_wait3A_107 = tpu.memref_squeeze %dma_wait3A_106 : memref<1x50x64xf32, #tpu.memory_space<vmem>> -> memref<50x64xf32, #tpu.memory_space<vmem>>
    %dma_wait3A_108 = arith.constant 0 : i32
    %dma_wait3A_109 = arith.constant 0 : i32
    %dma_wait3A_110 = tpu.memref_slice %arg4[%dma_wait3A_103, %dma_wait3A_108, %dma_wait3A_109] : memref<4096x56x128xf32, #tpu.memory_space<hbm>> -> memref<1x50x64xf32, #tpu.memory_space<hbm>>
    %dma_wait3A_111 = tpu.memref_squeeze %dma_wait3A_110 : memref<1x50x64xf32, #tpu.memory_space<hbm>> -> memref<50x64xf32, #tpu.memory_space<hbm>>
    %dma_wait3A_112 = arith.constant 0 : i32
    %dma_wait3A_113 = arith.constant 0 : i32
    %dma_wait3A_114 = tpu.memref_slice %arg4[%dma_wait3A_103, %dma_wait3A_112, %dma_wait3A_113] : memref<4096x56x128xf32, #tpu.memory_space<hbm>> -> memref<1x50x64xf32, #tpu.memory_space<hbm>>
    %dma_wait3A_115 = tpu.memref_squeeze %dma_wait3A_114 : memref<1x50x64xf32, #tpu.memory_space<hbm>> -> memref<50x64xf32, #tpu.memory_space<hbm>>
    %dma_wait3A_116 = arith.constant 0 : i32
    %dma_wait3A_117 = arith.constant 0 : i32
    %dma_wait3A_118 = tpu.memref_slice %arg6[%dma_wait3A, %dma_wait3A_116, %dma_wait3A_117] : memref<8x50x64xf32, #tpu.memory_space<vmem>> -> memref<1x50x64xf32, #tpu.memory_space<vmem>>
    %dma_wait3A_119 = tpu.memref_squeeze %dma_wait3A_118 : memref<1x50x64xf32, #tpu.memory_space<vmem>> -> memref<50x64xf32, #tpu.memory_space<vmem>>
    tpu.wait_dma2 semaphore(%arg8 : memref<!tpu.dma_semaphore, #tpu.memory_space<semaphore_mem>>) src(%dma_wait3A_119 : memref<50x64xf32, #tpu.memory_space<vmem>>) dst(%dma_wait3A_115 : memref<50x64xf32, #tpu.memory_space<hbm>>)
    %dma_wait3A_120 = arith.constant 0 : i32
    %dma_wait3A_121 = arith.constant 0 : i32
    %dma_wait3A_122 = arith.constant 0 : i32
    %dma_wait3A_123 = arith.constant 0 : i32
    %dma_wait3A_124 = tpu.memref_slice %arg6[%dma_wait3A_120, %dma_wait3A_122, %dma_wait3A_123] : memref<8x50x64xf32, #tpu.memory_space<vmem>> -> memref<1x50x64xf32, #tpu.memory_space<vmem>>
    %dma_wait3A_125 = tpu.memref_squeeze %dma_wait3A_124 : memref<1x50x64xf32, #tpu.memory_space<vmem>> -> memref<50x64xf32, #tpu.memory_space<vmem>>
    %dma_wait3A_126 = arith.constant 0 : i32
    %dma_wait3A_127 = arith.constant 0 : i32
    %dma_wait3A_128 = tpu.memref_slice %arg4[%dma_wait3A_121, %dma_wait3A_126, %dma_wait3A_127] : memref<4096x56x128xf32, #tpu.memory_space<hbm>> -> memref<1x50x64xf32, #tpu.memory_space<hbm>>
    %dma_wait3A_129 = tpu.memref_squeeze %dma_wait3A_128 : memref<1x50x64xf32, #tpu.memory_space<hbm>> -> memref<50x64xf32, #tpu.memory_space<hbm>>
    %dma_wait3A_130 = arith.constant 0 : i32
    %dma_wait3A_131 = arith.constant 0 : i32
    %dma_wait3A_132 = tpu.memref_slice %arg4[%dma_wait3A_121, %dma_wait3A_130, %dma_wait3A_131] : memref<4096x56x128xf32, #tpu.memory_space<hbm>> -> memref<1x50x64xf32, #tpu.memory_space<hbm>>
    %dma_wait3A_133 = tpu.memref_squeeze %dma_wait3A_132 : memref<1x50x64xf32, #tpu.memory_space<hbm>> -> memref<50x64xf32, #tpu.memory_space<hbm>>
    %dma_wait3A_134 = arith.constant 0 : i32
    %dma_wait3A_135 = arith.constant 0 : i32
    %dma_wait3A_136 = tpu.memref_slice %arg6[%dma_wait3A_120, %dma_wait3A_134, %dma_wait3A_135] : memref<8x50x64xf32, #tpu.memory_space<vmem>> -> memref<1x50x64xf32, #tpu.memory_space<vmem>>
    %dma_wait3A_137 = tpu.memref_squeeze %dma_wait3A_136 : memref<1x50x64xf32, #tpu.memory_space<vmem>> -> memref<50x64xf32, #tpu.memory_space<vmem>>
    tpu.wait_dma2 semaphore(%arg8 : memref<!tpu.dma_semaphore, #tpu.memory_space<semaphore_mem>>) src(%dma_wait3A_137 : memref<50x64xf32, #tpu.memory_space<vmem>>) dst(%dma_wait3A_133 : memref<50x64xf32, #tpu.memory_space<hbm>>)
    return
  }
}

</mosaic_0001>

<sc_bundles>
// kernel: kernel.3.cloned.1.call-start
scs
__scs_entry_jumppad:
0x0: {  	(pc) =	sbr.rel $0x88, $3  }
0x1: {  	(tag) =	ssettag $0x0;
	lr =	simm.s32 $0x1  }
0x2: {  	[smem:$0x3F9F] =	sst lr;
	_ =	strace $0xD0000000  }
0x3: {  	_ = 	snop  }
0x4: {  	_ = 	snop  }
0x5: {  	_ = 	snop  }
0x6: {  	_ = 	snop  }
0x7: {  	_ = 	snop  }
__scs_overlays_trampoline_lowered:
0x8: {  	[smem:$0x3FAE] =	sst s0  }
0x9: {  	[smem:$0x3FAF] =	sst s1  }
0xa: {  	[smem:$0x3FB0] =	sst s2  }
0xb: {  	[smem:$0x3FB1] =	sst s3  }
0xc: {  	[smem:$0x3FB2] =	sst s4  }
0xd: {  	[smem:$0x3FB3] =	sst s5  }
0xe: {  	[smem:$0x3FB4] =	sst s6  }
0xf: {  	[smem:$0x3FB5] =	sst s7  }
0x10: {  	[smem:$0x3FB6] =	sst s8  }
0x11: {  	[smem:$0x3FB7] =	sst s9;
	s0 =	simm.s32 @!p0 $0x0  }
0x12: {  	s1 =	sld [smem:$0x3F9D];
	s0 =	simm.s32 @p0 $0x1  }
0x13: {  	[smem:$0x3FB8] =	sst s0;
	s0 =	simm.s32 @!p1 $0x0  }
0x14: {  	s2 =	sld [smem:$0x3F9C];
	s0 =	simm.s32 @p1 $0x1  }
0x15: {  	[smem:$0x3FB9] =	sst s0;
	s0 =	simm.s32 @!p2 $0x0  }
0x16: {  	s3 =	sld [smem:$0x3FDB];
	s0 =	simm.s32 @p2 $0x1  }
0x17: {  	s4 =	simm.s32 $0x1BF5;
	[smem:$0x3FBB] =	sst s0  }
0x18: {  	s0 =	sld [smem:$0x3F9E];
	_ =	swait.ge [sflag:s4], $0x0  }
0x19: {  	s7 =	sld [smem:$0x3F9F]  }
0x1a: {  	s8 =	sadd.s32 $0xFFFFE003, lr  }
0x1b: {  	s9 =	sadd.s32 $0xFFFFFEF7, lr;
	s5 =	simm.s32 $0xFFFFFFFF;
	p2 =	slt.u32 s8, $0xFFFFF086  }
0x1c: {  	p1 =	slt.u32 s9, $0xF7A;
	s5 =	simm.s32 @!p2 $0x0  }
0x1d: {  	s5 =	simm.s32 @p1 $0x1;
	p0 =	seq.s32 s7, s2  }
0x1e: {  	s7 =	smul.u32 @!p0 $0xF7A, s2;
	p2 =	seq.s32 @!p0 s5, $0x0  }
0x1f: {  	s9 =	smul.u32 $0xF7A, s1;
	s8 =	simm.s32 @!p0 $0x1BF5;
	p2 =	por !p2, p0  }
0x20: {  	[sflag:s8] =	ssyncset.s32 @!p0 $0xFFFFF086;
	s6 =	sadd.s32 @!p0 s3, s7;
	s7 =	simm.s32 @!p0 $0x108  }
0x21: {  	s3 =	sadd.s32 s3, s9;
	s6 =	sadd.s32 @!p0 $0x88, s6;
	s7 =	simm.s32 @p2 $0x1082  }
0x22: {  	[simem:s7], [sflag:s8] =	dma.local @!p0 [hbm:s6], $0xF7A  }
0x23: {  	s9 =	sor.u32 $0xD0000000, s2;
	s6 =	simm.s32 $0x108;
	_ =	swait.ge @!p0 [sflag:s8], $0x0  }
0x24: {  	s3 =	sadd.s32 $0x88, s3;
	s6 =	simm.s32 @!p1 $0x1082;
	[sflag:s4] =	ssyncset.s32 $0xFFFFF086  }
0x25: {  	[simem:s6], [sflag:s4] =	dma.local [hbm:s3], $0xF7A  }
0x26: {  	[smem:$0x3F9F] =	sst s1;
	(tag) =	ssettag s2;
	_ =	strace s9  }
0x27: {  	s1 =	sld [smem:$0x3FAF]  }
0x28: {  	s2 =	sld [smem:$0x3FB0]  }
0x29: {  	s4 =	sld [smem:$0x3FB2]  }
0x2a: {  	p0 =	seq.s32 s5, $0x0;
	s5 =	sld [smem:$0x3FB3]  }
0x2b: {  	s6 =	sld [smem:$0x3FB4]  }
0x2c: {  	s7 =	sld [smem:$0x3FB5]  }
0x2d: {  	s3 =	simm.s32 $0x108;
	s8 =	sld [smem:$0x3FB6]  }
0x2e: {  	s3 =	simm.s32 @!p0 $0x1082;
	s9 =	sld [smem:$0x3FB7]  }
0x2f: {  	lr =	sadd.s32 s0, s3;
	s0 =	sld [smem:$0x3FAE]  }
0x30: {  	s3 =	sld [smem:$0x3FB1]  }
0x31: {  	[smem:$0x3FBA] =	sst s10  }
0x32: {  	s10 =	sld [smem:$0x3FB8];
	_ =	sdelay $0x3  }
0x33: {  	p0 =	seq.s32 s10, $0x1;
	s10 =	sld [smem:$0x3FBA];
	_ =	sdelay $0x3  }
0x34: {  	[smem:$0x3FBA] =	sst s10  }
0x35: {  	s10 =	sld [smem:$0x3FB9];
	_ =	sdelay $0x3  }
0x36: {  	p1 =	seq.s32 s10, $0x1;
	s10 =	sld [smem:$0x3FBA];
	_ =	sdelay $0x3  }
0x37: {  	[smem:$0x3FBA] =	sst s10  }
0x38: {  	s10 =	sld [smem:$0x3FBB]  }
0x39: {  	_ = 	snop;
	(pc) =	sbr.ind lr, $3  }
0x3a: {  	_ = 	snop  }
0x3b: {  	_ = 	snop  }
0x3c: {  	p2 =	seq.s32 s10, $0x1;
	s10 =	sld [smem:$0x3FBA]  }
0x3d: {  	_ =	shalt  }
0x3e: {  	_ =	shalt  }
0x3f: {  	_ =	shalt  }
0x40: {  	_ =	shalt  }
0x41: {  	_ =	shalt  }
0x42: {  	_ =	shalt  }
0x43: {  	_ =	shalt  }
0x44: {  	_ =	shalt  }
0x45: {  	_ =	shalt  }
0x46: {  	_ =	shalt  }
0x47: {  	_ =	shalt  }
0x48: {  	_ =	shalt  }
0x49: {  	_ =	shalt  }
0x4a: {  	_ =	shalt  }
0x4b: {  	_ =	shalt  }
0x4c: {  	_ =	shalt  }
0x4d: {  	_ =	shalt  }
0x4e: {  	_ =	shalt  }
0x4f: {  	_ =	shalt  }
0x50: {  	_ =	shalt  }
0x51: {  	_ =	shalt  }
0x52: {  	_ =	shalt  }
0x53: {  	_ =	shalt  }
0x54: {  	_ =	shalt  }
0x55: {  	_ =	shalt  }
0x56: {  	_ =	shalt  }
0x57: {  	_ =	shalt  }
0x58: {  	_ =	shalt  }
0x59: {  	_ =	shalt  }
0x5a: {  	_ =	shalt  }
0x5b: {  	_ =	shalt  }
0x5c: {  	_ =	shalt  }
0x5d: {  	_ =	shalt  }
0x5e: {  	_ =	shalt  }
0x5f: {  	_ =	shalt  }
0x60: {  	_ =	shalt  }
0x61: {  	_ =	shalt  }
0x62: {  	_ =	shalt  }
0x63: {  	_ =	shalt  }
0x64: {  	_ =	shalt  }
0x65: {  	_ =	shalt  }
0x66: {  	_ =	shalt  }
0x67: {  	_ =	shalt  }
0x68: {  	_ =	shalt  }
0x69: {  	_ =	shalt  }
0x6a: {  	_ =	shalt  }
0x6b: {  	_ =	shalt  }
0x6c: {  	_ =	shalt  }
0x6d: {  	_ =	shalt  }
0x6e: {  	_ =	shalt  }
0x6f: {  	_ =	shalt  }
0x70: {  	_ =	shalt  }
0x71: {  	_ =	shalt  }
0x72: {  	_ =	shalt  }
0x73: {  	_ =	shalt  }
0x74: {  	_ =	shalt  }
0x75: {  	_ =	shalt  }
0x76: {  	_ =	shalt  }
0x77: {  	_ =	shalt  }
0x78: {  	_ =	shalt  }
0x79: {  	_ =	shalt  }
0x7a: {  	_ =	shalt  }
0x7b: {  	_ =	shalt  }
0x7c: {  	_ =	shalt  }
0x7d: {  	_ =	shalt  }
0x7e: {  	_ =	shalt  }
0x7f: {  	_ =	shalt  }
0x80: {  	_ =	shalt  }
0x81: {  	_ =	shalt  }
0x82: {  	_ =	shalt  }
0x83: {  	_ =	shalt  }
0x84: {  	_ =	shalt  }
0x85: {  	_ =	shalt  }
0x86: {  	_ =	shalt  }
0x87: {  	_ =	shalt  }
.Lfunc_end0:
.L_simem_size_0:
called_computation.2_lowered:
.L_overlay_start_0:
0x88: {  	s2 =	sld [smem:$0x3FD9]  }
0x89: {  	s3 =	sld [smem:$0x3FFE];
	_ =	sdelay $0x1  }
0x8a: {  	s1 =	srdreg.scid  }
0x8b: {  	s0 =	sand.u32 $0x1, s1  }
0x8c: {  	s17 =	sshll.u32 s0, $0xA;
	s2 =	sadd.s32 s3, s2  }
0x8d: {  	s2 =	sadd.s32 s2, s17  }
0x8e: {  	[smem:$0x3FC6] =	sst s2  }
0x8f: {  	_ = 	snop  }
0x90: {  	s2 =	sld [smem:$0x3FD0];
	(tm) =	ssettm $0x1  }
0x91: {  	s18 =	sld [smem:$0x3FFB];
	_ =	sdelay $0x3  }
0x92: {  	_ =	strace s18  }
0x93: {  	s3 =	sld [smem:$0x3FFC];
	_ =	sdelay $0x3  }
0x94: {  	_ =	strace s3  }
0x95: {  	s3 =	sld [smem:$0x3FFD];
	_ =	sdelay $0x3  }
0x96: {  	_ =	strace s3  }
0x97: {  	_ =	strace $0x8FFFFFFF  }
0x98: {  	s19 =	sld [smem:$0x3FDB];
	_ =	sdelay $0x1  }
0x99: {  	s4 =	simm.s32 $_scs_section_size  }
0x9a: {  	s5 =	simm.s32 $_size__tile_overlayer_lowered;
	s6 =	simm.s32 $_tile_overlayer_lowered  }
0x9b: {  	s22 =	simm.s32 $0x1BFF;
	s21 =	sshll.u32 s6, $0x1;
	s3 =	sadd.s32 s4, s19  }
0x9c: {  	s7 =	simm.s32 $0x0;
	s20 =	sshll.u32 s5, $0x1;
	s5 =	sadd.s32 s21, s3  }
0x9d: {  	[timem:s7], [sflag:s22] =	dma.local [hbm:s5], s20  }
0x9e: {  	_ =	swait.ge [sflag:s22], s20  }
0x9f: {  	s4 =	ssub.s32 $0x0, s20;
	[sflag:s22] =	ssyncset.done $0x0  }
0xa0: {  	[sflag:s22] =	ssyncadd.s32 s4;
	_ =	sdelay $0x1  }
0xa1: {  	s23 =	simm.s32 $0x1B8B  }
0xa2: {  	_ =	swait.ge [sflag:s23], $0x1  }
0xa3: {  	[sflag:s23] =	ssyncset.done $0x0  }
0xa4: {  	s25 =	simm.s32 $0x1B8E;
	s24 =	sld [smem:$0x3FFE];
	[sflag:s23] =	ssyncadd.s32 $0xFFFFFFFF  }
0xa5: {  	s26 =	simm.s32 $execute0_lowered;
	[smem:$0x3FD2] =	sst s25  }
0xa6: {  	s5 =	sshll.u32 s26, $0x1;
	_ =	strace $0x80000049;
	[dreg:$0x1] =	wrdreg $0xFFFFFFFF  }
0xa7: {  	s28 =	simm.s32 $_size_execute0_lowered;
	s3 =	sadd.s32 s3, s5;
	[dreg:$0x0] =	wrdreg $0x0  }
0xa8: {  	s5 =	sshll.u32 s28, $0x1;
	[dreg:$0x2] =	wrdreg s3  }
0xa9: {  	[dreg:$0x3] =	wrdreg s5  }
0xaa: {  	[dreg:$0x4] =	wrdreg $0xC0  }
0xab: {  	_ =	task [dreg:s7], $0x5FFFF  }
0xac: {  	[dreg:$0x1] =	wrdreg $0xFFFFFFFF  }
0xad: {  	[dreg:$0x0] =	wrdreg $0x60  }
0xae: {  	[dreg:$0x2] =	wrdreg s24  }
0xaf: {  	[dreg:$0x3] =	wrdreg s2  }
0xb0: {  	[dreg:$0x4] =	wrdreg $0x9  }
0xb1: {  	_ =	task.clear_ibuf [dreg:s7], $0x5FFFF;
	_ =	strace $0x90000049  }
0xb2: {  	s29 =	simm.s32 $0x9;
	_ =	strace $0x8000004B  }
0xb3: {  	_ =	swait.ge [sflag:s29], $0x1  }
0xb4: {  	[sflag:s29] =	ssyncadd.s32 $0xFFFFFFFF  }
0xb5: {  	_ =	strace $0x9000004B  }
0xb6: {  	_ =	sfence  }
0xb7: {  	s30 =	sld [smem:$0x0];
	_ =	sdelay $0x2  }
0xb8: {  	s31 =	sshll.u32 s1, $0xD;
	s1 =	sshrl.u32 s1, $0x2  }
0xb9: {  	s3 =	sand.u32 $0x4000, s31;
	s1 =	sadd.s32 s1, s30  }
0xba: {  	s0 =	sor.u32 s3, s0;
	s1 =	sshll.u32 s1, $0x11  }
0xbb: {  	s0 =	sor.u32 s1, s0  }
0xbc: {  	s0 =	sadd.s32 $0x8F2B, s0  }
0xbd: {  	[sflag:s0] =	ssyncadd.remote.s32 $0x1  }
0xbe: {  	_ =	sfence.sel $0xFFFF  }
0xbf: {  	[dreg:$0x0] =	wrdreg $0xFFFFFFFF;
	(pc) =	sbr.abs _section_cstart, $3  }
0xc0: {  	[dreg:$0x1] =	wrdreg $0xFFFFFFFF  }
0xc1: {  	_ =	task.clear_ibuf [dreg:s7], $0x2FFFF;
	_ =	strace $0x9FFFFFFF  }
0xc2: {  	(tm) =	ssettm $0x7FFFFFFF  }
0xc3: {  	_ =	shalt  }
tec
execute0_lowered:
.L_overlay_start_1:
0x0: {  	(tag) =	ssettag $0x1  }
0x1: {  	s0 =	srdreg.scid;
	s1 =	rddreg [dreg:$0x0]  }
0x2: {  	s8 =	stileid.u32;
	s4 =	rddreg [dreg:$0x1]  }
0x3: {  	s2 =	simm.s32 $0x0;
	s10 =	simm.s32 $0x32;
	s11 =	simm.s32 $0x1C00  }
0x4: {  	s13 =	simm.s32 $0x2880;
	s19 =	simm.s32 $0x4E00;
	s20 =	simm.s32 $0x118  }
0x5: {  	s21 =	simm.s32 $0x5A80;
	s22 =	simm.s32 $0x150;
	s23 =	simm.s32 $0x6700  }
0x6: {  	s24 =	simm.s32 $0x188;
	s25 =	simm.s32 $0x7380;
	s26 =	simm.s32 $0x1  }
0x7: {  	s28 =	simm.s32 $0x40;
	s29 =	simm.s32 $0x80;
	s30 =	simm.s32 $0x2  }
0x8: {  	s31 =	simm.s32 $0x0;
	s0 =	sand.u32 $0x1, s0;
	s3 =	sshll.u32 s8, $0x8  }
0x9: {  	[smem:$0x7FF] =	sst s2;
	s8 =	smul.u32 $0x38000, s8;
	s5 =	sshll.u32 s0, $0x7  }
0xa: {  	s7 =	ssub.s32 $0x2, s0;
	s0 =	smul.u32 $0x1C000, s0;
	s3 =	sor.u32 s5, s3  }
0xb: {  	_ =	strace $0x8000004A;
	s9 =	sshrl.u32 s7, $0x1;
	s5 =	smul.u32 $0x7, s3  }
0xc: {  	s6 =	smul.u32 $0x380, s3;
	s3 =	sadd.s32 $0xF43600, s1;
	s1 =	sadd.s32 $0xE00, s1  }
0xd: {  	s7 =	ssub.s32 s7, s9;
	s9 =	simm.s32 $0x3;
	s8 =	sadd.s32 s8, s1  }
0xe: {  	s4 =	sadd.s32 s4, s5;
	s6 =	sadd.s32 s1, s6;
	s0 =	sadd.s32 s0, s8  }
0xf: {  	s5 =	smax.u32 s7, $0x1;
	s7 =	sadd.s32 $0x380, s6;
	s8 =	sadd.s32 $0x700, s0  }
.LBB2_1:
0x10: {  	[tilespmem:s2], [sflag:$0x3] =	stream.linear.gather [hbm4b:s4+s2], $0x1C00, $0x38;
	[tilespmem:$0x8000] =	vst v63  }
0x11: {  	_ =	swait.ge [sflag:s9], $0x1C00  }
0x12: {  	[sflag:s9] =	ssyncset.done $0x0  }
0x13: {  	[sflag:s9] =	ssyncadd.s32 $0xFFFFE400  }
0x14: {  	[tilespmem:s11], [sflag:$0x1] =	stream.indirect.gather [hbm4b:s3+s10], $0x40, s2, s10, $0xb8;
	[tilespmem:$0x8000] =	vst v63  }
0x15: {  	s0 =	simm.s32 $0x38  }
0x16: {  	[tilespmem:s13], [sflag:$0x1] =	stream.indirect.gather [hbm4b:s3+s10], $0x40, s0, s10, $0xb8;
	[tilespmem:$0x8000] =	vst v63  }
0x17: {  	s14 =	simm.s32 $0x70;
	s1 =	simm.s32 $0x3500  }
0x18: {  	[tilespmem:s1], [sflag:$0x1] =	stream.indirect.gather [hbm4b:s3+s10], $0x40, s14, s10, $0xb8;
	[tilespmem:$0x8000] =	vst v63  }
0x19: {  	s15 =	simm.s32 $0xA8;
	s16 =	simm.s32 $0x4180  }
0x1a: {  	[tilespmem:s16], [sflag:$0x1] =	stream.indirect.gather [hbm4b:s3+s10], $0x40, s15, s10, $0xb8;
	[tilespmem:$0x8000] =	vst v63  }
0x1b: {  	s17 =	simm.s32 $0xE0  }
0x1c: {  	[tilespmem:s19], [sflag:$0x1] =	stream.indirect.gather [hbm4b:s3+s10], $0x40, s17, s10, $0xb8;
	[tilespmem:$0x8000] =	vst v63  }
0x1d: {  	_ = 	snop  }
0x1e: {  	[tilespmem:s21], [sflag:$0x1] =	stream.indirect.gather [hbm4b:s3+s10], $0x40, s20, s10, $0xb8;
	[tilespmem:$0x8000] =	vst v63  }
0x1f: {  	_ = 	snop  }
0x20: {  	[tilespmem:s23], [sflag:$0x1] =	stream.indirect.gather [hbm4b:s3+s10], $0x40, s22, s10, $0xb8;
	[tilespmem:$0x8000] =	vst v63  }
0x21: {  	_ = 	snop  }
0x22: {  	[tilespmem:s25], [sflag:$0x1] =	stream.indirect.gather [hbm4b:s3+s10], $0x40, s24, s10, $0xb8;
	[tilespmem:$0x8000] =	vst v63  }
0x23: {  	_ =	swait.ge [sflag:s26], $0xC80  }
0x24: {  	[sflag:s26] =	ssyncset.done $0x0  }
0x25: {  	[sflag:s26] =	ssyncadd.s32 $0xFFFFF380  }
0x26: {  	[hbm4b:s6+s28] =	stream.strided.scatter [tilespmem:s11], [sflag:$0x2], $0xC80, s29, s28, $0x38;
	[tilespmem:$0x8000] =	vst v63  }
0x27: {  	s18 =	simm.s32 $0x2;
	_ =	swait.ge [sflag:s26], $0xC80  }
0x28: {  	s0 =	sand.u32 $0x7, s18;
	[sflag:s26] =	ssyncset.done $0x0  }
0x29: {  	s0 =	smul.u32 $0x3200, s0;
	[sflag:s26] =	ssyncadd.s32 $0xFFFFF380  }
0x2a: {  	[hbm4b:s7+s28] =	stream.strided.scatter [tilespmem:s13], [sflag:$0x2], $0xC80, s29, s28, $0x38;
	[tilespmem:$0x8000] =	vst v63  }
0x2b: {  	s12 =	simm.s32 $0x8;
	p0 =	por $0x0, $0x0;
	_ =	swait.ge [sflag:s26], $0xC80  }
0x2c: {  	s12 =	sand.u32 @!p0 $0x7, s12;
	s0 =	sshrl.u32 s0, $0x2;
	[sflag:s26] =	ssyncset.done $0x0  }
0x2d: {  	s0 =	sadd.s32 $0x1C00, s0;
	s15 =	smul.u32 @!p0 $0x3200, s12;
	[sflag:s26] =	ssyncadd.s32 $0xFFFFF380  }
0x2e: {  	[hbm4b:s8+s28] =	stream.strided.scatter [tilespmem:s0], [sflag:$0x2], $0xC80, s29, s28, $0x38;
	[tilespmem:$0x8000] =	vst v63  }
0x2f: {  	s1 =	simm.s32 $0x1C0;
	s14 =	sadd.s32 $0x380, s8;
	_ =	swait.ge [sflag:s30], $0xC80  }
0x30: {  	s12 =	simm.s32 $0x1F8;
	s16 =	sshrl.u32 @!p0 s15, $0x2;
	[sflag:s30] =	ssyncset.done $0x0  }
0x31: {  	s15 =	simm.s32 @!p0 $0x32;
	s0 =	simm.s32 $0x9;
	[sflag:s30] =	ssyncadd.s32 $0xFFFFF380  }
.LBB2_2:
0x32: {  	s17 =	sadd.s32 $0xFFFFFFFA, s0  }
0x33: {  	s16 =	sadd.s32 @!p0 $0x1C00, s16;
	s18 =	smov.u32 s0;
	s0 =	sadd.s32 $0x1, s0  }
0x34: {  	[tilespmem:s16], [sflag:$0x1] =	stream.indirect.gather @!p0 [hbm4b:s3+s15], $0x40, s1, s15, $0xb8;
	[tilespmem:$0x8000] =	vst v63  }
0x35: {  	s15 =	sand.u32 $0x7, s17;
	p1 =	sne.s32 s0, $0x86;
	s1 =	smov.u32 s12  }
0x36: {  	s15 =	smul.u32 $0x3200, s15  }
0x37: {  	p0 =	sgt.u32 s17, $0x79;
	_ =	swait.ge [sflag:s26], $0xC80  }
0x38: {  	s16 =	sand.u32 @!p0 $0x7, s18;
	s15 =	sshrl.u32 s15, $0x2;
	[sflag:s26] =	ssyncset.done $0x0  }
.Ltmp0:
0x39: {  	s15 =	sadd.s32 $0x1C00, s15;
	[sflag:s26] =	ssyncadd.s32 $0xFFFFF380;
	(pc) =	sbr.rel @p1 .LBB2_2-.Ltmp0, $4  }
0x3a: {  	[hbm4b:s14+s28] =	stream.strided.scatter [tilespmem:s15], [sflag:$0x2], $0xC80, s29, s28, $0x38;
	[tilespmem:$0x8000] =	vst v63  }
0x3b: {  	s15 =	smul.u32 @!p0 $0x3200, s16;
	_ =	swait.ge [sflag:s30], $0xC80  }
0x3c: {  	s12 =	sadd.s32 $0x38, s12;
	s14 =	sadd.s32 $0x380, s14;
	[sflag:s30] =	ssyncset.done $0x0  }
0x3d: {  	s16 =	sshrl.u32 @!p0 s15, $0x2;
	s15 =	simm.s32 @!p0 $0x32;
	[sflag:s30] =	ssyncadd.s32 $0xFFFFF380  }
0x3e: {  	s0 =	sadd.s32 @!p0 $0x1C00, s16;
	s31 =	sadd.s32 $0x1, s31  }
0x3f: {  	[tilespmem:s0], [sflag:$0x1] =	stream.indirect.gather @!p0 [hbm4b:s3+s15], $0x40, s1, s15, $0xb8;
	[tilespmem:$0x8000] =	vst v63  }
0x40: {  	p0 =	sne.s32 s31, s5;
	_ =	swait.ge [sflag:s30], $0xC80  }
.Ltmp1:
0x41: {  	[sflag:s30] =	ssyncset.done $0x0;
	(pc) =	sbr.rel @p0 .LBB2_1-.Ltmp1, $4  }
0x42: {  	[sflag:s30] =	ssyncadd.s32 $0xFFFFF380  }
0x43: {  	_ =	swait.ge [sflag:s30], $0xC80  }
0x44: {  	[sflag:s30] =	ssyncset.done $0x0  }
0x45: {  	[sflag:s30] =	ssyncadd.s32 $0xFFFFF380  }
0x46: {  	_ =	sfence.sel $0x180000  }
0x47: {  	[bflag:$0x0] =	sbarrier.arrive $0xFFFF  }
0x48: {  	_ =	strace $0x9000004A  }
0x49: {  	s0 =	stileid.u32;
	[bflag:$0x2] =	sbarrier.arrive $0xFFFF  }
0x4a: {  	p0 =	sne.s32 s0, $0x0;
	s0 =	rddreg [dreg:$0x2]  }
0x4b: {  	s0 =	sadd.s32 @!p0 $0x100000, s0  }
0x4c: {  	[sflag:s0] =	ssyncadd.tile.s32 @!p0 $0x1;
	_ =	shalt  }
.Lfunc_end2:
_tile_overlayer_lowered:
.L_overlay_start_2:
0x4d: {  	(tag) =	ssettag $0x2  }
0x4e: {  	s0 =	rddreg [dreg:$0x0];
	s2 =	stileid.u32  }
0x4f: {  	s1 =	rddreg [dreg:$0x1];
	p0 =	sne.s32 s2, $0x0  }
0x50: {  	s3 =	rddreg [dreg:$0x2];
	[bflag:$0x3] =	sbarrier.arrive $0xFFFF;
	s2 =	simm.s32 @!p0 $0x1C03  }
0x51: {  	[timem:s3], [sflag:s2] =	dma.local @!p0 [hbm:s0], s1  }
0x52: {  	s0 =	simm.s32 @!p0 $0x3  }
0x53: {  	_ =	swait.ge @!p0 [sflag:s0], s1  }
0x54: {  	s1 =	ssub.s32 @!p0 $0x0, s1;
	[sflag:s0] =	ssyncset.done @!p0 $0x0  }
0x55: {  	[sflag:s0] =	ssyncadd.s32 @!p0 s1  }
0x56: {  	[bflag:$0x3] =	sbarrier.arrive $0xFFFF  }
0x57: {  	_ =	shalt  }

// kernel: sparse-core-data-format-call.1.cloned.1.call-start
scs
called_computation.1_lowered:
.L_overlay_start_0:
0x0: {  	s1 =	sld [smem:$0x3FD9]  }
0x1: {  	s2 =	sld [smem:$0x3FFE];
	_ =	sdelay $0x1  }
0x2: {  	s3 =	srdreg.scid  }
0x3: {  	s0 =	sand.u32 $0x1, s3  }
0x4: {  	s17 =	sshll.u32 s0, $0xA;
	s1 =	sadd.s32 s2, s1  }
0x5: {  	s1 =	sadd.s32 s1, s17  }
0x6: {  	[smem:$0x3FC6] =	sst s1  }
0x7: {  	_ = 	snop  }
0x8: {  	(tm) =	ssettm $0x1  }
0x9: {  	s18 =	sld [smem:$0x3FFB];
	_ =	sdelay $0x3  }
0xa: {  	_ =	strace s18  }
0xb: {  	s1 =	sld [smem:$0x3FFC];
	_ =	sdelay $0x3  }
0xc: {  	_ =	strace s1  }
0xd: {  	s1 =	sld [smem:$0x3FFD];
	_ =	sdelay $0x3  }
0xe: {  	_ =	strace s1  }
0xf: {  	_ =	strace $0x8FFFFFFF  }
0x10: {  	s19 =	sld [smem:$0x3FDB];
	_ =	sdelay $0x1  }
0x11: {  	s20 =	simm.s32 $_scs_section_size  }
0x12: {  	s4 =	simm.s32 $_size__tile_overlayer_lowered;
	s5 =	simm.s32 $_tile_overlayer_lowered  }
0x13: {  	s23 =	simm.s32 $0x1BFF;
	s22 =	sshll.u32 s5, $0x1;
	s1 =	sadd.s32 s20, s19  }
0x14: {  	s6 =	simm.s32 $0x0;
	s21 =	sshll.u32 s4, $0x1;
	s4 =	sadd.s32 s22, s1  }
0x15: {  	[timem:s6], [sflag:s23] =	dma.local [hbm:s4], s21  }
0x16: {  	_ =	swait.ge [sflag:s23], s21  }
0x17: {  	s2 =	ssub.s32 $0x0, s21;
	[sflag:s23] =	ssyncset.done $0x0  }
0x18: {  	[sflag:s23] =	ssyncadd.s32 s2;
	_ =	sdelay $0x1  }
0x19: {  	s24 =	simm.s32 $0x1B8B  }
0x1a: {  	_ =	swait.ge [sflag:s24], $0x1  }
0x1b: {  	[sflag:s24] =	ssyncset.done $0x0  }
0x1c: {  	s26 =	simm.s32 $0x1B8E;
	s25 =	sld [smem:$0x3FFE];
	[sflag:s24] =	ssyncadd.s32 $0xFFFFFFFF  }
0x1d: {  	s27 =	simm.s32 $execute0_lowered;
	[smem:$0x3FD2] =	sst s26  }
0x1e: {  	s4 =	sshll.u32 s27, $0x1;
	_ =	strace $0x80000046;
	[dreg:$0x1] =	wrdreg $0xFFFFFFFF  }
0x1f: {  	s28 =	simm.s32 $_size_execute0_lowered;
	s1 =	sadd.s32 s1, s4;
	[dreg:$0x0] =	wrdreg $0x0  }
0x20: {  	s4 =	sshll.u32 s28, $0x1;
	[dreg:$0x2] =	wrdreg s1  }
0x21: {  	[dreg:$0x3] =	wrdreg s4  }
0x22: {  	[dreg:$0x4] =	wrdreg $0xC0  }
0x23: {  	_ =	task [dreg:s6], $0x5FFFF  }
0x24: {  	[dreg:$0x1] =	wrdreg $0xFFFFFFFF  }
0x25: {  	[dreg:$0x0] =	wrdreg $0x60  }
0x26: {  	[dreg:$0x2] =	wrdreg s25  }
0x27: {  	[dreg:$0x3] =	wrdreg $0x9  }
0x28: {  	_ =	task.clear_ibuf [dreg:s6], $0x4FFFF;
	_ =	strace $0x90000046  }
0x29: {  	s29 =	simm.s32 $0x9;
	_ =	strace $0x80000048  }
0x2a: {  	_ =	swait.ge [sflag:s29], $0x1  }
0x2b: {  	[sflag:s29] =	ssyncadd.s32 $0xFFFFFFFF  }
0x2c: {  	_ =	strace $0x90000048  }
0x2d: {  	_ =	sfence  }
0x2e: {  	s30 =	sld [smem:$0x0];
	_ =	sdelay $0x2  }
0x2f: {  	s31 =	sshll.u32 s3, $0xD;
	s3 =	sshrl.u32 s3, $0x2  }
0x30: {  	s2 =	sand.u32 $0x4000, s31;
	s1 =	sadd.s32 s3, s30  }
0x31: {  	s0 =	sor.u32 s2, s0;
	s1 =	sshll.u32 s1, $0x11  }
0x32: {  	s0 =	sor.u32 s1, s0  }
0x33: {  	s0 =	sadd.s32 $0x8F2B, s0  }
0x34: {  	[sflag:s0] =	ssyncadd.remote.s32 $0x1  }
0x35: {  	_ =	sfence.sel $0xFFFF  }
0x36: {  	[dreg:$0x0] =	wrdreg $0xFFFFFFFF;
	(pc) =	sbr.abs _section_cstart, $3  }
0x37: {  	[dreg:$0x1] =	wrdreg $0xFFFFFFFF  }
0x38: {  	_ =	task.clear_ibuf [dreg:s6], $0x2FFFF;
	_ =	strace $0x9FFFFFFF  }
0x39: {  	(tm) =	ssettm $0x7FFFFFFF  }
tec
execute0_lowered:
.L_overlay_start_1:
0x0: {  	(tag) =	ssettag $0x1  }
0x1: {  	s0 =	srdreg.scid  }
0x2: {  	s4 =	rddreg [dreg:$0x0];
	s1 =	stileid.u32  }
0x3: {  	s5 =	simm.s32 $0x1;
	s7 =	simm.s32 $0x2;
	s14 =	simm.s32 $0x0  }
0x4: {  	p0 =	por $0x0, $0x0;
	s13 =	simm.s32 $0x0;
	s0 =	sshll.u32 s0, $0x4  }
0x5: {  	s8 =	simm.s32 $0x0;
	s9 =	simm.s32 $0x0;
	s2 =	sand.u32 $0x10, s0  }
.Ltmp0:
0x6: {  	s11 =	simm.s32 $0x0;
	s3 =	sor.u32 s1, s2;
	(pc) =	sbr.rel .LBB1_1-.Ltmp0, $4  }
0x7: {  	s12 =	simm.s32 $0x0;
	s0 =	rddreg [dreg:$0x1];
	s3 =	sshll.u32 s3, $0x7  }
0x8: {  	_ =	strace $0x80000047;
	s2 =	sadd.s32 $0xE00, s4;
	s6 =	ssub.s32 $0xF4200, s3  }
0x9: {  	s4 =	sadd.s32 $0xF43600, s4;
	[sflag:s5] =	ssyncpa.u1 $0x0;
	s6 =	sshrl.u32 s6, $0xC  }
0xa: {  	[sflag:s7] =	ssyncpa.u1 $0x0;
	s10 =	smov.u32 s3;
	s7 =	sadd.s32 $0x2, s6  }
.LBB1_5:
0xb: {  	p1 =	slt.u32 s12, $0x2  }
0xc: {  	p2 =	sgt.s32 @!p1 s14, $0xF41C0  }
0xd: {  	s15 =	smov.u32 s14;
	s16 =	sshra.s32 @!p1 s14, $0x1F;
	p2 =	por !p2, p1  }
0xe: {  	s14 =	sand.u32 @!p1 s16, s14;
	s15 =	simm.s32 @p2 $0xF41C0  }
0xf: {  	s14 =	ssub.s32 @!p1 s15, s14;
	s15 =	ssub.s32 @!p1 $0x0, s13  }
0x10: {  	s17 =	smov.u32 s11;
	s16 =	sadd.s32 @!p1 $0xFFF0BE40, s14;
	s13 =	smin.u32 @!p1 s13, s15  }
0x11: {  	s14 =	ssub.s32 @!p1 $0xF4240, s14;
	p2 =	sgt.s32 @!p1 s16, $0x7F;
	p3 =	sgt.s32 @!p1 s13, $0x7F  }
0x12: {  	s13 =	ssub.s32 @!p1 $0x80, s13;
	p2 =	por !p2, p1;
	p3 =	por !p3, p1  }
0x13: {  	s15 =	sadd.s32 $0x1000, s10;
	s14 =	simm.s32 @!p2 $0x0;
	s13 =	simm.s32 @!p3 $0x0  }
0x14: {  	p2 =	sgt.s32 s15, $0xF423F;
	s13 =	smul.u32 @!p1 s13, s14;
	s14 =	sadd.s32 $0x80, s11  }
0x15: {  	s17 =	smov.u32 @p2 s14  }
0x16: {  	s15 =	smov.u32 @p2 s3;
	p2 =	sgt.s32 s17, $0x7F  }
0x17: {  	s17 =	simm.s32 @p2 $0x0;
	p2 =	sne.s32 s12, s7  }
.Ltmp1:
0x18: {  	p0 =	por !p0, !p0;
	s16 =	simm.s32 @!p1 $0x2;
	(pc) =	sbr.rel @!p2 .LBB1_6-.Ltmp1, $4  }
0x19: {  	s14 =	smov.u32 s8;
	s8 =	smov.u32 s10;
	s13 =	sand.u32 @!p1 $0x3FFFFFFF, s13  }
0x1a: {  	s10 =	smov.u32 s15;
	_ =	swait.ge @!p1 [sflag:s16], s13;
	s18 =	ssub.s32 @!p1 $0x0, s13  }
0x1b: {  	s13 =	smov.u32 s9;
	s12 =	sadd.s32 $0x1, s12;
	[sflag:s16] =	ssyncset.done @!p1 $0x0  }
0x1c: {  	s9 =	smov.u32 s11;
	s11 =	smov.u32 s17;
	[sflag:s16] =	ssyncadd.s32 @!p1 s18  }
.LBB1_1:
0x1d: {  	p1 =	sgt.u32 s12, s6  }
0x1e: {  	s15 =	sshrl.u32 @!p1 s11, $0x3  }
0x1f: {  	s16 =	sshll.u32 @!p1 s10, $0x3;
	s15 =	smul.u32 @!p1 $0x7A1400, s15  }
0x20: {  	s17 =	sshll.u32 @!p1 s11, $0x7;
	s16 =	sand.u32 @!p1 $0xFFFFFC00, s16  }
0x21: {  	s15 =	sadd.s32 @!p1 s15, s16;
	s16 =	sand.u32 @!p1 $0x380, s17  }
0x22: {  	s17 =	sand.u32 @!p1 $0x7F, s10;
	s15 =	sor.u32 @!p1 s16, s15  }
0x23: {  	s16 =	sor.u32 @!p1 s17, s15  }
0x24: {  	s17 =	smulhi.u32 @!p1 $0x218D6287, s16;
	_ =	sdelay $0x1  }
0x25: {  	s15 =	smulhi.u32 @!p1 $0x218D6287, s15;
	s17 =	sshrl.u32 @!p1 s17, $0x11  }
0x26: {  	s17 =	smul.u32 @!p1 $0xF4280, s17  }
0x27: {  	s18 =	sxor.u32 @!p1 $0xFFFFFFFF, s12;
	s15 =	sshrl.u32 @!p1 s15, $0x11  }
0x28: {  	s18 =	sshll.u32 @!p1 s18, $0xE;
	s15 =	sand.u32 @!p1 $0x7F, s15;
	s16 =	ssub.s32 @!p1 s16, s17  }
0x29: {  	s15 =	smul.u32 @!p1 $0x1E850, s15;
	s17 =	sshrl.u32 @!p1 s16, $0x3;
	s16 =	sand.u32 @!p1 $0x7, s16  }
0x2a: {  	s18 =	sand.u32 @!p1 $0x4000, s18;
	s17 =	sadd.s32 @!p1 s2, s17;
	s16 =	sshll.u32 @!p1 s16, $0x12  }
0x2b: {  	s15 =	sadd.s32 @!p1 s15, s17;
	s16 =	sor.u32 @!p1 $0x400, s16;
	s17 =	simm.s32 @!p1 $0x7A1400  }
0x2c: {  	[tilespmem:s18], [sflag:$0x1] =	stream.strided.gather @!p1 [hbm4b:s15+s16], $0x4000, s17, s16, $0x38;
	[tilespmem:$0x10100] =	vst v63  }
0x2d: {  	p1 =	seq.s32 s12, $0x0  }
0x2e: {  	p2 =	sge.u32 @!p1 s12, s7  }
0x2f: {  	p1 =	por p1, p2  }
.Ltmp2:
0x30: {  	_ = 	snop;
	(pc) =	sbr.rel @p1 .LBB1_5-.Ltmp2, $1  }
0x31: {  	_ =	sdelay $0x3  }
0x32: {  	s15 =	simm.s32 $0x1  }
0x33: {  	_ =	swait.ge [sflag:s5], $0x4000;
	s15 =	simm.s32 @!p0 $0x0  }
0x34: {  	[sflag:s5] =	ssyncset.done $0x0;
	s16 =	sshll.u32 s15, $0xE  }
0x35: {  	[sflag:s5] =	ssyncadd.s32 $0xFFFFC000;
	s16 =	sor.u32 $0x40, s16  }
0x36: {  	s15 =	smul.u32 $0x10200, s15;
	v0 =	vld [tilespmem:s16+$0x30]  }
0x37: {  	v1 =	vld [tilespmem:s16+$0xFFFFFFD0]  }
0x38: {  	s15 =	sshrl.u32 s15, $0x2;
	v5 =	vld [tilespmem:s16+$0xFFFFFFE0]  }
0x39: {  	v6 =	vld [tilespmem:s16+$0xFFFFFFF0];
	s18 =	sor.u32 $0x8000, s15  }
0x3a: {  	s31 =	sand.u32 $0x1, s12;
	v4 =	vld [tilespmem:s16+$0x0];
	s17 =	sadd.s32 $0x0, s18  }
0x3b: {  	v3 =	vld [tilespmem:s16+$0x10];
	s15 =	smul.u32 $0x10200, s31;
	[tilespmem:s17+$0x3870 ss:$0x81] =	vst.msk $0xffff, v0  }
0x3c: {  	v2 =	vld [tilespmem:s16+$0x20];
	[tilespmem:s17+$0x810 ss:$0x81] =	vst.msk $0xffff, v1  }
0x3d: {  	s15 =	sshrl.u32 s15, $0x2;
	v0 =	vld [tilespmem:s16+$0xFFFFFFC0];
	[tilespmem:s17+$0x1020 ss:$0x81] =	vst.msk $0xffff, v5;
	s16 =	sadd.s32 $0x80, s16  }
0x3e: {  	s19 =	simm.s32 $0x4;
	s20 =	simm.s32 $0x8;
	s15 =	sor.u32 $0x8000, s15;
	[tilespmem:s17+$0x1830 ss:$0x81] =	vst.msk $0xffff, v6;
	v1 =	vld [tilespmem:s16+$0x30]  }
.LBB1_3:
0x3f: {  	p1 =	sne.s32 s20, $0x1FC;
	v5 =	vld [tilespmem:s16+$0xFFFFFFD0];
	[tilespmem:s17+$0x2040 ss:$0x81] =	vst.msk $0xffff, v4  }
0x40: {  	v6 =	vld [tilespmem:s16+$0xFFFFFFE0];
	[tilespmem:s17+$0x2850 ss:$0x81] =	vst.msk $0xffff, v3  }
0x41: {  	s21 =	sshra.s32 s19, $0x2;
	s19 =	smov.u32 s20;
	v7 =	vld [tilespmem:s16+$0xFFFFFFF0];
	[tilespmem:s17+$0x3060 ss:$0x81] =	vst.msk $0xffff, v2  }
.Ltmp3:
0x42: {  	v4 =	vld [tilespmem:s16+$0x0];
	[tilespmem:s17+$0x0 ss:$0x81] =	vst.msk $0xffff, v0;
	s17 =	sadd.s32 s21, s18;
	(pc) =	sbr.rel @p1 .LBB1_3-.Ltmp3, $4  }
0x43: {  	v3 =	vld [tilespmem:s16+$0x10];
	[tilespmem:s17+$0x3870 ss:$0x81] =	vst.msk $0xffff, v1  }
0x44: {  	[tilespmem:s17+$0x810 ss:$0x81] =	vst.msk $0xffff, v5;
	v2 =	vld [tilespmem:s16+$0x20]  }
0x45: {  	v0 =	vld [tilespmem:s16+$0xFFFFFFC0];
	[tilespmem:s17+$0x1020 ss:$0x81] =	vst.msk $0xffff, v6;
	s16 =	sadd.s32 $0x80, s16  }
0x46: {  	s20 =	sadd.s32 $0x4, s20;
	v1 =	vld [tilespmem:s16+$0x30];
	[tilespmem:s17+$0x1830 ss:$0x81] =	vst.msk $0xffff, v7  }
0x47: {  	s20 =	sshll.u32 s8, $0x7;
	s21 =	sshll.u32 s9, $0x3;
	s19 =	sshra.s32 s19, $0x2  }
0x48: {  	v5 =	vld [tilespmem:s16+$0xFFFFFFD0];
	[tilespmem:s17+$0x2040 ss:$0x81] =	vst.msk $0xffff, v4;
	p1 =	sgt.s32 s8, $0xF41C0;
	s22 =	sand.u32 $0xFFFFFC00, s20;
	s21 =	sand.u32 $0xFFFFFC00, s21  }
0x49: {  	v58 =	vld [tilespmem:s16+$0xFFFFFFE0];
	s24 =	sshra.s32 s8, $0x1F;
	s20 =	sand.u32 $0x380, s20;
	[tilespmem:s17+$0x2850 ss:$0x81] =	vst.msk $0xffff, v3;
	s21 =	sadd.s32 s21, s22  }
0x4a: {  	v59 =	vld [tilespmem:s16+$0xFFFFFFF0];
	s26 =	ssub.s32 $0x0, s9;
	s18 =	sadd.s32 s19, s18;
	[tilespmem:s17+$0x3060 ss:$0x81] =	vst.msk $0xffff, v2;
	s23 =	sor.u32 s20, s21  }
0x4b: {  	v60 =	vld [tilespmem:s16+$0x0];
	s28 =	smin.u32 s9, s26;
	s20 =	smov.u32 s8;
	[tilespmem:s17+$0x0 ss:$0x81] =	vst.msk $0xffff, v0;
	s19 =	sshrl.u32 s23, $0x7  }
0x4c: {  	v61 =	vld [tilespmem:s16+$0x10];
	s21 =	sand.u32 s24, s8;
	s20 =	simm.s32 @!p1 $0xF41C0;
	[tilespmem:s18+$0x3870 ss:$0x81] =	vst.msk $0xffff, v1;
	s25 =	smulhi.u32 $0x218DEF5, s19  }
0x4d: {  	v62 =	vld [tilespmem:s16+$0x20];
	s29 =	sshrl.u32 s9, $0x3;
	p2 =	sgt.s32 s28, $0x7F;
	s20 =	ssub.s32 s20, s21;
	[tilespmem:s18+$0x810 ss:$0x81] =	vst.msk $0xffff, v5  }
0x4e: {  	v63 =	vld [tilespmem:s16+$0xFFFFFFC0];
	[tilespmem:s18+$0x1020 ss:$0x81] =	vst.msk $0xffff, v58;
	s21 =	sadd.s32 $0xFFF0BE40, s20;
	s20 =	ssub.s32 $0xF4240, s20;
	s17 =	sshrl.u32 s25, $0xD  }
0x4f: {  	[tilespmem:s18+$0x1830 ss:$0x81] =	vst.msk $0xffff, v59;
	p1 =	sgt.s32 s21, $0x7F;
	s27 =	smul.u32 $0xF4240, s17;
	s17 =	ssub.s32 $0x80, s28  }
.Ltmp4:
0x50: {  	[tilespmem:s18+$0x2040 ss:$0x81] =	vst.msk $0xffff, v60;
	s20 =	simm.s32 @p1 $0x0;
	s17 =	simm.s32 @p2 $0x0;
	(pc) =	sbr.rel .LBB1_5-.Ltmp4, $4  }
0x51: {  	s30 =	sand.u32 $0xF, s29;
	[tilespmem:s18+$0x2850 ss:$0x81] =	vst.msk $0xffff, v61;
	s16 =	ssub.s32 s19, s27;
	s17 =	smul.u32 s17, s20  }
0x52: {  	[tilespmem:s18+$0x3060 ss:$0x81] =	vst.msk $0xffff, v62;
	s19 =	sadd.s32 s4, s30;
	s16 =	sshll.u32 s16, $0x4  }
0x53: {  	s31 =	sand.u32 $0x7, s9;
	[tilespmem:s18+$0x0 ss:$0x81] =	vst.msk $0xffff, v63;
	s17 =	sand.u32 $0x3FFFFFFF, s17;
	s16 =	sadd.s32 s16, s19  }
0x54: {  	[hbm4b:s16+s31] =	stream.linear.scatter [tilespmem:s15], [sflag:$0x2], s17, $0x20;
	[tilespmem:$0x10100] =	vst v63  }
.LBB1_6:
0x55: {  	_ =	sfence.sel $0x180000  }
0x56: {  	s2 =	simm.s32 $0x1;
	[bflag:$0x0] =	sbarrier.arrive $0xFFFF  }
0x57: {  	s31 =	simm.s32 $0x2;
	[sflag:s2] =	ssyncpa.u1 $0x1  }
0x58: {  	[sflag:s31] =	ssyncpa.u1 $0x1  }
0x59: {  	p0 =	sne.s32 s1, $0x0;
	_ =	strace $0x90000047  }
0x5a: {  	s0 =	sadd.s32 @!p0 $0x100000, s0;
	[bflag:$0x2] =	sbarrier.arrive $0xFFFF  }
0x5b: {  	[sflag:s0] =	ssyncadd.tile.s32 @!p0 $0x1;
	_ =	shalt  }
.Lfunc_end1:
_tile_overlayer_lowered:
.L_overlay_start_2:
0x5c: {  	(tag) =	ssettag $0x2  }
0x5d: {  	s0 =	rddreg [dreg:$0x0];
	s2 =	stileid.u32  }
0x5e: {  	s1 =	rddreg [dreg:$0x1];
	p0 =	sne.s32 s2, $0x0  }
0x5f: {  	s3 =	rddreg [dreg:$0x2];
	[bflag:$0x3] =	sbarrier.arrive $0xFFFF;
	s2 =	simm.s32 @!p0 $0x1C01  }
0x60: {  	[timem:s3], [sflag:s2] =	dma.local @!p0 [hbm:s0], s1  }
0x61: {  	s0 =	simm.s32 @!p0 $0x1  }
0x62: {  	_ =	swait.ge @!p0 [sflag:s0], s1  }
0x63: {  	s1 =	ssub.s32 @!p0 $0x0, s1;
	[sflag:s0] =	ssyncset.done @!p0 $0x0  }
0x64: {  	[sflag:s0] =	ssyncadd.s32 @!p0 s1  }
0x65: {  	[bflag:$0x3] =	sbarrier.arrive $0xFFFF  }
0x66: {  	_ =	shalt  }

// kernel: sparse-core-data-format-call.cloned.1.call-start
scs
called_computation_lowered:
.L_overlay_start_0:
0x0: {  	s2 =	sld [smem:$0x3FD9]  }
0x1: {  	s3 =	sld [smem:$0x3FFE];
	_ =	sdelay $0x1  }
0x2: {  	s1 =	srdreg.scid  }
0x3: {  	s0 =	sand.u32 $0x1, s1  }
0x4: {  	s18 =	sshll.u32 s0, $0xA;
	s2 =	sadd.s32 s3, s2  }
0x5: {  	s2 =	sadd.s32 s2, s18  }
0x6: {  	[smem:$0x3FC6] =	sst s2  }
0x7: {  	_ = 	snop  }
0x8: {  	s2 =	sld [smem:$0x3FD0];
	(tm) =	ssettm $0x1  }
0x9: {  	s19 =	sld [smem:$0x3FFB];
	_ =	sdelay $0x3  }
0xa: {  	_ =	strace s19  }
0xb: {  	s3 =	sld [smem:$0x3FFC];
	_ =	sdelay $0x3  }
0xc: {  	_ =	strace s3  }
0xd: {  	s3 =	sld [smem:$0x3FFD];
	_ =	sdelay $0x3  }
0xe: {  	_ =	strace s3  }
0xf: {  	_ =	strace $0x8FFFFFFF  }
0x10: {  	s20 =	sld [smem:$0x3FDB];
	_ =	sdelay $0x1  }
0x11: {  	s4 =	simm.s32 $_scs_section_size  }
0x12: {  	s5 =	simm.s32 $_size__tile_overlayer_lowered;
	s6 =	simm.s32 $_tile_overlayer_lowered  }
0x13: {  	s23 =	simm.s32 $0x1BFF;
	s22 =	sshll.u32 s6, $0x1;
	s3 =	sadd.s32 s4, s20  }
0x14: {  	s7 =	simm.s32 $0x0;
	s21 =	sshll.u32 s5, $0x1;
	s5 =	sadd.s32 s22, s3  }
0x15: {  	[timem:s7], [sflag:s23] =	dma.local [hbm:s5], s21  }
0x16: {  	_ =	swait.ge [sflag:s23], s21  }
0x17: {  	s4 =	ssub.s32 $0x0, s21;
	[sflag:s23] =	ssyncset.done $0x0  }
0x18: {  	[sflag:s23] =	ssyncadd.s32 s4;
	_ =	sdelay $0x1  }
0x19: {  	s24 =	simm.s32 $0x1B8B  }
0x1a: {  	_ =	swait.ge [sflag:s24], $0x1  }
0x1b: {  	[sflag:s24] =	ssyncset.done $0x0  }
0x1c: {  	s26 =	simm.s32 $0x1B8E;
	s25 =	sld [smem:$0x3FFE];
	[sflag:s24] =	ssyncadd.s32 $0xFFFFFFFF  }
0x1d: {  	s27 =	simm.s32 $execute0_lowered;
	[smem:$0x3FD2] =	sst s26  }
0x1e: {  	s5 =	sshll.u32 s27, $0x1;
	_ =	strace $0x8000004C;
	[dreg:$0x1] =	wrdreg $0xFFFFFFFF  }
0x1f: {  	s28 =	simm.s32 $_size_execute0_lowered;
	s3 =	sadd.s32 s3, s5;
	[dreg:$0x0] =	wrdreg $0x0  }
0x20: {  	s5 =	sshll.u32 s28, $0x1;
	[dreg:$0x2] =	wrdreg s3  }
0x21: {  	[dreg:$0x3] =	wrdreg s5  }
0x22: {  	[dreg:$0x4] =	wrdreg $0xC0  }
0x23: {  	_ =	task [dreg:s7], $0x5FFFF  }
0x24: {  	[dreg:$0x1] =	wrdreg $0xFFFFFFFF  }
0x25: {  	[dreg:$0x0] =	wrdreg $0x60  }
0x26: {  	[dreg:$0x2] =	wrdreg s25  }
0x27: {  	[dreg:$0x3] =	wrdreg s2  }
0x28: {  	[dreg:$0x4] =	wrdreg $0x9  }
0x29: {  	_ =	task.clear_ibuf [dreg:s7], $0x5FFFF;
	_ =	strace $0x9000004C  }
0x2a: {  	s29 =	simm.s32 $0x9;
	_ =	strace $0x8000004E  }
0x2b: {  	_ =	swait.ge [sflag:s29], $0x1  }
0x2c: {  	[sflag:s29] =	ssyncadd.s32 $0xFFFFFFFF  }
0x2d: {  	_ =	strace $0x9000004E  }
0x2e: {  	_ =	sfence  }
0x2f: {  	s30 =	sld [smem:$0x0];
	_ =	sdelay $0x2  }
0x30: {  	s31 =	sshll.u32 s1, $0xD;
	s1 =	sshrl.u32 s1, $0x2  }
0x31: {  	s3 =	sand.u32 $0x4000, s31;
	s1 =	sadd.s32 s1, s30  }
0x32: {  	s0 =	sor.u32 s3, s0;
	s1 =	sshll.u32 s1, $0x11  }
0x33: {  	s0 =	sor.u32 s1, s0  }
0x34: {  	s0 =	sadd.s32 $0x8F2B, s0  }
0x35: {  	[sflag:s0] =	ssyncadd.remote.s32 $0x1  }
0x36: {  	_ =	sfence.sel $0xFFFF  }
0x37: {  	[dreg:$0x0] =	wrdreg $0xFFFFFFFF;
	(pc) =	sbr.abs _section_cstart, $3  }
0x38: {  	[dreg:$0x1] =	wrdreg $0xFFFFFFFF  }
0x39: {  	_ =	task.clear_ibuf [dreg:s7], $0x2FFFF;
	_ =	strace $0x9FFFFFFF  }
0x3a: {  	(tm) =	ssettm $0x7FFFFFFF  }
0x3b: {  	_ =	shalt  }
tec
execute0_lowered:
.L_overlay_start_1:
0x0: {  	(tag) =	ssettag $0x1  }
0x1: {  	s0 =	srdreg.scid  }
0x2: {  	s1 =	sshll.u32 s0, $0x4  }
0x3: {  	s0 =	stileid.u32;
	s1 =	sand.u32 $0x10, s1  }
0x4: {  	s1 =	sor.u32 s0, s1  }
0x5: {  	s6 =	rddreg [dreg:$0x0];
	s4 =	simm.s32 $0x1;
	s2 =	sshll.u32 s1, $0x7  }
0x6: {  	s7 =	simm.s32 $0x2;
	s12 =	simm.s32 $0x0;
	s1 =	ssub.s32 $0x1000, s2  }
0x7: {  	s8 =	simm.s32 $0x8000;
	s13 =	simm.s32 $0x0;
	s3 =	sand.u32 $0xF80, s1  }
0x8: {  	s9 =	simm.s32 $0x0;
	s5 =	sshrl.u32 s1, $0xC;
	p0 =	sne.s32 s3, $0x0  }
.Ltmp0:
0x9: {  	s1 =	rddreg [dreg:$0x2];
	s4 =	simm.s32 @!p0 $0x0;
	(pc) =	sbr.rel .LBB1_1-.Ltmp0, $4  }
0xa: {  	s11 =	simm.s32 $0x0;
	s3 =	rddreg [dreg:$0x1];
	s5 =	sadd.s32 s4, s5  }
0xb: {  	_ =	strace $0x8000004D;
	s4 =	simm.s32 $0x1;
	s5 =	smul.u32 $0x32, s5  }
0xc: {  	s6 =	sadd.s32 $0xE00, s6;
	s10 =	smov.u32 s2;
	[sflag:s4] =	ssyncpa.u1 $0x0  }
0xd: {  	p0 =	por $0x0, $0x0;
	[sflag:s7] =	ssyncpa.u1 $0x0;
	s7 =	sor.u32 $0x1, s5  }
.LBB1_4:
0xe: {  	s16 =	sshll.u32 s13, $0x3;
	s17 =	sand.u32 $0x78, s13  }
0xf: {  	s30 =	sand.u32 $0x7E00, s13;
	s12 =	sshll.u32 s12, $0xF;
	s16 =	sand.u32 $0xC00, s16  }
0x10: {  	[tilespmem:s15+$0x810 ss:$0x81] =	vst.msk $0xffff, v2;
	s31 =	sand.u32 $0x7, s13;
	s16 =	sor.u32 s17, s16;
	s17 =	sadd.s32 s3, s30  }
0x11: {  	[tilespmem:s15+$0x1020 ss:$0x81] =	vst.msk $0xffff, v0;
	s13 =	sshll.u32 s31, $0x12;
	s12 =	sadd.s32 s12, s17;
	s16 =	sshrl.u32 s16, $0x3  }
0x12: {  	[tilespmem:s15+$0x0 ss:$0x81] =	vst.msk $0xffff, v1;
	s13 =	sor.u32 $0x400, s13;
	s12 =	sadd.s32 s16, s12  }
0x13: {  	[hbm4b:s12+s13] =	stream.strided.scatter [tilespmem:s14], [sflag:$0x2], $0x2000, s8, s13, $0x20;
	[tilespmem:$0x8080] =	vst v63  }
.LBB1_5:
0x14: {  	s14 =	sadd.s32 $0x1, s9  }
0x15: {  	s12 =	sadd.s32 $0x1000, s10;
	s16 =	smov.u32 s10;
	p2 =	sgt.s32 s14, $0x31  }
0x16: {  	s16 =	smov.u32 @p2 s12  }
0x17: {  	s14 =	simm.s32 @p2 $0x0;
	p2 =	sgt.s32 s16, $0xFFF  }
0x18: {  	s16 =	smov.u32 @p2 s2;
	p2 =	sne.s32 s11, s7  }
.Ltmp1:
0x19: {  	p1 =	slt.u32 s11, $0x2;
	(pc) =	sbr.rel @!p2 .LBB1_6-.Ltmp1, $4  }
0x1a: {  	s15 =	simm.s32 @!p1 $0x2  }
0x1b: {  	s13 =	smov.u32 s10;
	p0 =	por !p0, !p0;
	_ =	swait.ge @!p1 [sflag:s15], $0x2000  }
0x1c: {  	s12 =	smov.u32 s9;
	[sflag:s15] =	ssyncset.done @!p1 $0x0;
	s9 =	smov.u32 s14  }
0x1d: {  	s11 =	sadd.s32 $0x1, s11;
	[sflag:s15] =	ssyncadd.s32 @!p1 $0xFFFFE000;
	s10 =	smov.u32 s16  }
.LBB1_1:
0x1e: {  	p1 =	sge.u32 s11, s5  }
0x1f: {  	s14 =	sand.u32 @!p1 $0x1FFFFFF, s9  }
0x20: {  	s15 =	smulhi.u32 @!p1 $0x4924925, s14;
	_ =	sdelay $0x1  }
0x21: {  	s15 =	smul.u32 @!p1 $0x38, s15  }
0x22: {  	s16 =	sxor.u32 @!p1 $0xFFFFFFFF, s11;
	s17 =	smul.u32 @!p1 $0x380, s10  }
0x23: {  	s31 =	sadd.s32 $0xFFFFFFFF, s11;
	s16 =	sshll.u32 @!p1 s16, $0xD;
	s14 =	ssub.s32 @!p1 s14, s15  }
0x24: {  	s15 =	sand.u32 @!p1 $0x2000, s16;
	s16 =	sadd.s32 @!p1 s6, s17;
	s14 =	sshll.u32 @!p1 s14, $0x4  }
0x25: {  	s17 =	simm.s32 @!p1 $0x1C00;
	s14 =	sadd.s32 @!p1 s14, s16;
	s16 =	simm.s32 @!p1 $0x40  }
0x26: {  	[tilespmem:s15], [sflag:$0x1] =	stream.strided.gather @!p1 [hbm4b:s14+s16], $0x2000, s17, s16, $0x38;
	[tilespmem:$0x8080] =	vst v63  }
0x27: {  	p1 =	sge.u32 s31, s5  }
.Ltmp2:
0x28: {  	_ = 	snop;
	(pc) =	sbr.rel @p1 .LBB1_5-.Ltmp2, $1  }
0x29: {  	_ =	sdelay $0x3  }
0x2a: {  	s14 =	simm.s32 $0x1  }
0x2b: {  	_ =	swait.ge [sflag:s4], $0x2000;
	s14 =	simm.s32 @!p0 $0x0  }
0x2c: {  	[sflag:s4] =	ssyncset.done $0x0;
	s15 =	sshll.u32 s14, $0xD  }
0x2d: {  	[sflag:s4] =	ssyncadd.s32 $0xFFFFE000;
	s18 =	sor.u32 $0x20, s15  }
0x2e: {  	s14 =	smul.u32 $0x8100, s14;
	v3 =	vld [tilespmem:s18+$0x10]  }
0x2f: {  	s30 =	sand.u32 $0x1, s11;
	v2 =	vld [tilespmem:s18+$0xFFFFFFF0]  }
0x30: {  	s15 =	smul.u32 $0x8100, s30;
	s14 =	sshrl.u32 s14, $0x2;
	v0 =	vld [tilespmem:s18+$0x0]  }
0x31: {  	v1 =	vld [tilespmem:s18+$0xFFFFFFE0];
	s16 =	sor.u32 $0x4000, s14  }
0x32: {  	s31 =	sshrl.u32 s15, $0x2;
	s15 =	sadd.s32 $0x0, s16  }
0x33: {  	s17 =	simm.s32 $0x4;
	s18 =	sadd.s32 $0x40, s18;
	s14 =	sor.u32 $0x4000, s31;
	[tilespmem:s15+$0x1830 ss:$0x81] =	vst.msk $0xffff, v3  }
.LBB1_3:
0x34: {  	v3 =	vld [tilespmem:s18+$0x10];
	p1 =	sne.s32 s17, $0x1FC;
	[tilespmem:s15+$0x810 ss:$0x81] =	vst.msk $0xffff, v2;
	s19 =	smov.u32 s17;
	s17 =	sadd.s32 $0x4, s17  }
.Ltmp3:
0x35: {  	v2 =	vld [tilespmem:s18+$0xFFFFFFF0];
	[tilespmem:s15+$0x1020 ss:$0x81] =	vst.msk $0xffff, v0;
	(pc) =	sbr.rel @p1 .LBB1_3-.Ltmp3, $4  }
0x36: {  	v0 =	vld [tilespmem:s18+$0x0];
	[tilespmem:s15+$0x0 ss:$0x81] =	vst.msk $0xffff, v1  }
0x37: {  	s15 =	sshra.s32 s19, $0x2;
	v1 =	vld [tilespmem:s18+$0xFFFFFFE0]  }
0x38: {  	s15 =	sadd.s32 s15, s16  }
0x39: {  	s18 =	sadd.s32 $0x40, s18;
	[tilespmem:s15+$0x1830 ss:$0x81] =	vst.msk $0xffff, v3  }
.Ltmp4:
0x3a: {  	_ = 	snop;
	(pc) =	sbr.rel .LBB1_4-.Ltmp4, $1  }
0x3b: {  	_ =	sdelay $0x3  }
.LBB1_6:
0x3c: {  	_ =	sfence.sel $0x180000  }
0x3d: {  	s2 =	simm.s32 $0x1;
	[bflag:$0x0] =	sbarrier.arrive $0xFFFF  }
0x3e: {  	s31 =	simm.s32 $0x2;
	[sflag:s2] =	ssyncpa.u1 $0x1  }
0x3f: {  	[sflag:s31] =	ssyncpa.u1 $0x1  }
0x40: {  	p0 =	sne.s32 s0, $0x0;
	_ =	strace $0x9000004D  }
0x41: {  	s0 =	sadd.s32 @!p0 $0x100000, s1;
	[bflag:$0x2] =	sbarrier.arrive $0xFFFF  }
0x42: {  	[sflag:s0] =	ssyncadd.tile.s32 @!p0 $0x1;
	_ =	shalt  }
.Lfunc_end1:
_tile_overlayer_lowered:
.L_overlay_start_2:
0x43: {  	(tag) =	ssettag $0x2  }
0x44: {  	s0 =	rddreg [dreg:$0x0];
	s2 =	stileid.u32  }
0x45: {  	s1 =	rddreg [dreg:$0x1];
	p0 =	sne.s32 s2, $0x0  }
0x46: {  	s3 =	rddreg [dreg:$0x2];
	[bflag:$0x3] =	sbarrier.arrive $0xFFFF;
	s2 =	simm.s32 @!p0 $0x1C01  }
0x47: {  	[timem:s3], [sflag:s2] =	dma.local @!p0 [hbm:s0], s1  }
0x48: {  	s0 =	simm.s32 @!p0 $0x1  }
0x49: {  	_ =	swait.ge @!p0 [sflag:s0], s1  }
0x4a: {  	s1 =	ssub.s32 @!p0 $0x0, s1;
	[sflag:s0] =	ssyncset.done @!p0 $0x0  }
0x4b: {  	[sflag:s0] =	ssyncadd.s32 @!p0 s1  }
0x4c: {  	[bflag:$0x3] =	sbarrier.arrive $0xFFFF  }
0x4d: {  	_ =	shalt  }

</sc_bundles>
